<compile_context>
chip_gen: v7x
topology: tpu7x:2x2x1
jax: 0.10.2.dev20260603
libtpu: 0.0.44.dev20260713+nightly
codegen_flags: <defaults>
</compile_context>

<pallas_src>
import functools

import jax
import jax.numpy as jnp
from jax import lax
from jax.experimental import pallas as pl
from jax.experimental.pallas import tpu as pltpu
from jax.experimental.pallas import tpu_sc as plsc

VOCAB = 100000
D = 300
B = 4096 * 50
NC = 2
NS = 16
NW = NC * NS
BPW = B // NW
CHUNK = 64
NCHUNK = BPW // CHUNK
GRAN = 320
NGRAN = VOCAB * D // GRAN
G0MAX = NGRAN - 2

_MESH = plsc.VectorSubcoreMesh(core_axis_name="c", subcore_axis_name="s")


@functools.partial(
    pl.kernel,
    mesh=_MESH,
    out_type=jax.ShapeDtypeStruct((B * D,), jnp.float32),
    compiler_params=pltpu.CompilerParams(
        use_tc_tiling_on_sc=False, needs_layout_passes=False),
    scratch_types=[
        pltpu.VMEM((NCHUNK, 2 * CHUNK), jnp.int32),
        pltpu.VMEM((BPW,), jnp.int32),
        pltpu.VMEM((2 * CHUNK, GRAN), jnp.float32),
        pltpu.VMEM((2 * CHUNK, GRAN), jnp.float32),
        pltpu.VMEM((CHUNK * D + 16,), jnp.float32),
        pltpu.SemaphoreType.DMA,
        pltpu.SemaphoreType.DMA,
    ],
)
def _gather_kernel(gidx_hbm, ph_hbm, tview_hbm, out_hbm, gidx_v, ph_v,
                   buf0, buf1, cmp_v, sem0, sem1):
    wid = lax.axis_index("s") * NC + lax.axis_index("c")
    base = wid * BPW
    pltpu.sync_copy(gidx_hbm.at[wid], gidx_v)
    pltpu.sync_copy(ph_hbm.at[wid], ph_v)

    lane = lax.iota(jnp.int32, 16)
    bufs = (buf0, buf1)
    sems = (sem0, sem1)

    def fire(c, par):
        pltpu.async_copy(
            tview_hbm.at[gidx_v.at[c]], bufs[par], sems[par])

    def wait(par):
        pltpu.make_async_copy(
            tview_hbm.at[gidx_v.at[0]], bufs[par], sems[par]).wait()

    ngroup = CHUNK // 16

    def realign(c, buf_v):
        slot2 = [2 * (g * 16 + lane) for g in range(ngroup)]
        ovec0 = [(g * 16 + lane) * D for g in range(ngroup)]

        def m_body(m, carry2):
            state = carry2
            new = []
            for g in range(ngroup):
                q, o = state[2 * g], state[2 * g + 1]
                for _ in range(2):
                    ge = q >= GRAN
                    slot = slot2[g] + ge.astype(jnp.int32)
                    w = jnp.where(ge, q - GRAN, q)
                    v = plsc.load_gather(buf_v, [slot, w])
                    plsc.store_scatter(cmp_v, [o], v)
                    q = q + 1
                    o = o + 1
                new.extend((q, o))
            return tuple(new)

        init = []
        for g in range(ngroup):
            init.extend((ph_v[pl.ds(c * CHUNK + g * 16, 16)], ovec0[g]))
        lax.fori_loop(0, D // 2, m_body, tuple(init))
        pltpu.sync_copy(
            cmp_v.at[pl.ds(0, CHUNK * D)],
            out_hbm.at[pl.ds((base + c * CHUNK) * D, CHUNK * D)])

    fire(0, 0)

    def chunk_body(c, carry):
        for par in range(2):
            @pl.when(lax.rem(c, 2) == par)
            def _():
                @pl.when(c + 1 < NCHUNK)
                def _():
                    fire(c + 1, 1 - par)
                wait(par)
                realign(c, bufs[par])
        return carry

    lax.fori_loop(0, NCHUNK, chunk_body, 0)


def kernel(inp, table):
    idx = inp.reshape(-1).astype(jnp.int32)
    q = idx * D
    g0 = jnp.minimum(q // GRAN, G0MAX)
    ph = (q - g0 * GRAN).reshape(NW, BPW)
    gidx = jnp.stack([g0, g0 + 1], axis=-1).reshape(NW, NCHUNK, 2 * CHUNK)
    tview = table.reshape(NGRAN, GRAN)
    out = _gather_kernel(gidx, ph, tview)
    return out.reshape(inp.shape[0], inp.shape[1], D)

# --- scband reference (transcript-rebuilt; emitter-appended) ---
"""Pipeline reference for scband-w2v-model-5858335392120 (READ-ONLY COPY).

The authoritative reference and input builder live on the scoring server;
editing this copy changes nothing except your own understanding.
"""

import jax, jax.numpy as jnp
import numpy as np

VOCAB = 100000
EMBED_DIM = 300
PAD_TOKEN_ID = 0

def setup_inputs(seed: int = 0) -> dict:
    key = jax.random.key(seed)
    k_idx, k_tab = jax.random.split(key)
    inp = jax.random.randint(k_idx, (4096, 50), 0, VOCAB, dtype=jnp.int64 if jax.config.read('jax_enable_x64') else jnp.int32)
    table = jax.random.normal(k_tab, (VOCAB, EMBED_DIM), dtype=jnp.float32) * 0.1
    # pad token (row 0) embedding is all zeros, matching the torch module
    table = table.at[PAD_TOKEN_ID].set(0.0)
    return {"inp": inp, "table": table}

def reference(inp, table):
    # w2v_model.forward: self.embedding(inp) -> gather rows of the pretrained table
    return jnp.take(table, inp, axis=0)

if __name__ == "__main__":
    import jax
    _d = setup_inputs()
    print(jax.jit(kernel)(*tuple(_d.values())))

</pallas_src>

<mosaic_0001>
#map = affine_map<(d0, d1) -> (0, 0, 0)>
#map1 = affine_map<(d0, d1) -> (0, 0)>
#map2 = affine_map<(d0, d1) -> (0)>
module attributes {stable_mosaic.version = 14 : i64} {
  func.func @_gather_kernel(%arg0: i32, %arg1: i32, %arg2: memref<32x100x128xi32, #tpu.memory_space<hbm>>, %arg3: memref<32x6400xi32, #tpu.memory_space<hbm>>, %arg4: memref<93750x320xf32, #tpu.memory_space<hbm>>, %arg5: memref<61440000xf32, #tpu.memory_space<hbm>>, %arg6: memref<100x128xi32, #tpu.memory_space<vmem>>, %arg7: memref<6400xi32, #tpu.memory_space<vmem>>, %arg8: memref<128x320xf32, #tpu.memory_space<vmem>>, %arg9: memref<128x320xf32, #tpu.memory_space<vmem>>, %arg10: memref<19216xf32, #tpu.memory_space<vmem>>, %arg11: memref<!tpu.dma_semaphore, #tpu.memory_space<semaphore_mem>>, %arg12: memref<!tpu.dma_semaphore, #tpu.memory_space<semaphore_mem>>) attributes {dimension_semantics = [#tpu.dimension_semantics<core_parallel>, #tpu.dimension_semantics<subcore_parallel>], iteration_bounds = array<i64: 2, 16>, scalar_prefetch = 0 : i64, scratch_operands = 7 : i64, tpu.core_type = #tpu.core_type<sc_vector_subcore>, window_params = [{transform_indices = #map}, {transform_indices = #map1}, {transform_indices = #map1}, {transform_indices = #map2}]} {
    %mul3A = arith.constant 2 : i32
    %mul3A_0 = arith.muli %arg1, %mul3A : i32
    %add3A = arith.addi %mul3A_0, %arg0 : i32
    %mul3A_1 = arith.constant 6400 : i32
    %mul3A_2 = arith.muli %add3A, %mul3A_1 : i32
    "tpu.region"() ({
      %run_scoped3A = tpu.sem_alloc : memref<!tpu.dma_semaphore, #tpu.memory_space<semaphore_mem>>
      %dma_start3A_14 = arith.constant 0 : i32
      %dma_start3A_15 = arith.constant 0 : i32
      %dma_start3A_16 = tpu.memref_slice %arg2[%add3A, %dma_start3A_14, %dma_start3A_15] : memref<32x100x128xi32, #tpu.memory_space<hbm>> -> memref<1x100x128xi32, #tpu.memory_space<hbm>>
      %dma_start3A_17 = tpu.memref_squeeze %dma_start3A_16 : memref<1x100x128xi32, #tpu.memory_space<hbm>> -> memref<100x128xi32, #tpu.memory_space<hbm>>
      %dma_start3A_18 = arith.constant 0 : i32
      %dma_start3A_19 = arith.constant 0 : i32
      %dma_start3A_20 = tpu.memref_slice %arg2[%add3A, %dma_start3A_18, %dma_start3A_19] : memref<32x100x128xi32, #tpu.memory_space<hbm>> -> memref<1x100x128xi32, #tpu.memory_space<hbm>>
      %dma_start3A_21 = tpu.memref_squeeze %dma_start3A_20 : memref<1x100x128xi32, #tpu.memory_space<hbm>> -> memref<100x128xi32, #tpu.memory_space<hbm>>
      tpu.enqueue_dma source(%dma_start3A_21 : memref<100x128xi32, #tpu.memory_space<hbm>>) target(%arg6 : memref<100x128xi32, #tpu.memory_space<vmem>>) target_semaphore(%run_scoped3A : memref<!tpu.dma_semaphore, #tpu.memory_space<semaphore_mem>>)
      %dma_wait3A = arith.constant 0 : i32
      %dma_wait3A_22 = arith.constant 0 : i32
      %dma_wait3A_23 = tpu.memref_slice %arg2[%add3A, %dma_wait3A, %dma_wait3A_22] : memref<32x100x128xi32, #tpu.memory_space<hbm>> -> memref<1x100x128xi32, #tpu.memory_space<hbm>>
      %dma_wait3A_24 = tpu.memref_squeeze %dma_wait3A_23 : memref<1x100x128xi32, #tpu.memory_space<hbm>> -> memref<100x128xi32, #tpu.memory_space<hbm>>
      %dma_wait3A_25 = arith.constant 0 : i32
      %dma_wait3A_26 = arith.constant 0 : i32
      %dma_wait3A_27 = tpu.memref_slice %arg2[%add3A, %dma_wait3A_25, %dma_wait3A_26] : memref<32x100x128xi32, #tpu.memory_space<hbm>> -> memref<1x100x128xi32, #tpu.memory_space<hbm>>
      %dma_wait3A_28 = tpu.memref_squeeze %dma_wait3A_27 : memref<1x100x128xi32, #tpu.memory_space<hbm>> -> memref<100x128xi32, #tpu.memory_space<hbm>>
      tpu.wait_dma2 semaphore(%run_scoped3A : memref<!tpu.dma_semaphore, #tpu.memory_space<semaphore_mem>>) src(%dma_wait3A_28 : memref<100x128xi32, #tpu.memory_space<hbm>>) dst(%arg6 : memref<100x128xi32, #tpu.memory_space<vmem>>)
      tpu.yield
    }) : () -> ()
    "tpu.region"() ({
      %run_scoped3A = tpu.sem_alloc : memref<!tpu.dma_semaphore, #tpu.memory_space<semaphore_mem>>
      %dma_start3A_14 = arith.constant 0 : i32
      %dma_start3A_15 = tpu.memref_slice %arg3[%add3A, %dma_start3A_14] : memref<32x6400xi32, #tpu.memory_space<hbm>> -> memref<1x6400xi32, #tpu.memory_space<hbm>>
      %dma_start3A_16 = tpu.memref_squeeze %dma_start3A_15 : memref<1x6400xi32, #tpu.memory_space<hbm>> -> memref<6400xi32, #tpu.memory_space<hbm>>
      %dma_start3A_17 = arith.constant 0 : i32
      %dma_start3A_18 = tpu.memref_slice %arg3[%add3A, %dma_start3A_17] : memref<32x6400xi32, #tpu.memory_space<hbm>> -> memref<1x6400xi32, #tpu.memory_space<hbm>>
      %dma_start3A_19 = tpu.memref_squeeze %dma_start3A_18 : memref<1x6400xi32, #tpu.memory_space<hbm>> -> memref<6400xi32, #tpu.memory_space<hbm>>
      tpu.enqueue_dma source(%dma_start3A_19 : memref<6400xi32, #tpu.memory_space<hbm>>) target(%arg7 : memref<6400xi32, #tpu.memory_space<vmem>>) target_semaphore(%run_scoped3A : memref<!tpu.dma_semaphore, #tpu.memory_space<semaphore_mem>>)
      %dma_wait3A = arith.constant 0 : i32
      %dma_wait3A_20 = tpu.memref_slice %arg3[%add3A, %dma_wait3A] : memref<32x6400xi32, #tpu.memory_space<hbm>> -> memref<1x6400xi32, #tpu.memory_space<hbm>>
      %dma_wait3A_21 = tpu.memref_squeeze %dma_wait3A_20 : memref<1x6400xi32, #tpu.memory_space<hbm>> -> memref<6400xi32, #tpu.memory_space<hbm>>
      %dma_wait3A_22 = arith.constant 0 : i32
      %dma_wait3A_23 = tpu.memref_slice %arg3[%add3A, %dma_wait3A_22] : memref<32x6400xi32, #tpu.memory_space<hbm>> -> memref<1x6400xi32, #tpu.memory_space<hbm>>
      %dma_wait3A_24 = tpu.memref_squeeze %dma_wait3A_23 : memref<1x6400xi32, #tpu.memory_space<hbm>> -> memref<6400xi32, #tpu.memory_space<hbm>>
      tpu.wait_dma2 semaphore(%run_scoped3A : memref<!tpu.dma_semaphore, #tpu.memory_space<semaphore_mem>>) src(%dma_wait3A_24 : memref<6400xi32, #tpu.memory_space<hbm>>) dst(%arg7 : memref<6400xi32, #tpu.memory_space<vmem>>)
      tpu.yield
    }) : () -> ()
    %iota3A = tpu.iota {dimensions = array<i32: 0>} : vector<16xi32>
    %dma_start3A = arith.constant 0 : i32
    %dma_start3A_3 = arith.constant 0 : i32
    %dma_start3A_4 = tpu.memref_slice %arg6[%dma_start3A, %dma_start3A_3] : memref<100x128xi32, #tpu.memory_space<vmem>> -> memref<1x128xi32, #tpu.memory_space<vmem>>
    %dma_start3A_5 = tpu.memref_squeeze %dma_start3A_4 : memref<1x128xi32, #tpu.memory_space<vmem>> -> memref<128xi32, #tpu.memory_space<vmem>>
    %dma_start3A_6 = arith.constant 0 : i32
    %dma_start3A_7 = arith.constant 0 : i32
    %dma_start3A_8 = tpu.memref_slice %arg4[%dma_start3A_6, %dma_start3A_7] : memref<93750x320xf32, #tpu.memory_space<hbm>> -> memref<93750x320xf32, #tpu.memory_space<hbm>>
    tpu.enqueue_indirect_dma source(%dma_start3A_8 : memref<93750x320xf32, #tpu.memory_space<hbm>>) target(%arg8 : memref<128x320xf32, #tpu.memory_space<vmem>>) offsets(%dma_start3A_5 : memref<128xi32, #tpu.memory_space<vmem>>) semaphore(%arg11 : memref<!tpu.dma_semaphore, #tpu.memory_space<semaphore_mem>>)
    %scan3A = arith.constant 0 : i32
    %scan3A_9 = arith.constant 0 : i32
    %scan3A_10 = arith.constant 100 : i32
    %scan3A_11 = arith.addi %scan3A_9, %scan3A_10 : i32
    %scan3A_12 = arith.constant 1 : i32
    scf.for %scan3A_14 = %scan3A_9 to %scan3A_11 step %scan3A_12  : i32 {
      %rem3A = arith.constant 2 : i32
      %rem3A_15 = arith.remsi %scan3A_14, %rem3A : i32
      %eq3A = arith.constant 0 : i32
      %eq3A_16 = arith.cmpi eq, %rem3A_15, %eq3A : i32
      %convert_element_type3A = arith.extui %eq3A_16 : i1 to i32
      %cond3A = arith.constant 0 : i32
      %cond3A_17 = arith.cmpi ne, %convert_element_type3A, %cond3A : i32
      scf.if %cond3A_17 {
        %add3A_25 = arith.constant 1 : i32
        %add3A_26 = arith.addi %scan3A_14, %add3A_25 : i32
        %lt3A = arith.constant 100 : i32
        %lt3A_27 = arith.cmpi slt, %add3A_26, %lt3A : i32
        %convert_element_type3A_28 = arith.extui %lt3A_27 : i1 to i32
        %cond3A_29 = arith.constant 0 : i32
        %cond3A_30 = arith.cmpi ne, %convert_element_type3A_28, %cond3A_29 : i32
        scf.if %cond3A_30 {
          %add3A_119 = arith.constant 1 : i32
          %add3A_120 = arith.addi %scan3A_14, %add3A_119 : i32
          %dma_start3A_121 = arith.constant 0 : i32
          %dma_start3A_122 = tpu.memref_slice %arg6[%add3A_120, %dma_start3A_121] : memref<100x128xi32, #tpu.memory_space<vmem>> -> memref<1x128xi32, #tpu.memory_space<vmem>>
          %dma_start3A_123 = tpu.memref_squeeze %dma_start3A_122 : memref<1x128xi32, #tpu.memory_space<vmem>> -> memref<128xi32, #tpu.memory_space<vmem>>
          %dma_start3A_124 = arith.constant 0 : i32
          %dma_start3A_125 = arith.constant 0 : i32
          %dma_start3A_126 = tpu.memref_slice %arg4[%dma_start3A_124, %dma_start3A_125] : memref<93750x320xf32, #tpu.memory_space<hbm>> -> memref<93750x320xf32, #tpu.memory_space<hbm>>
          tpu.enqueue_indirect_dma source(%dma_start3A_126 : memref<93750x320xf32, #tpu.memory_space<hbm>>) target(%arg9 : memref<128x320xf32, #tpu.memory_space<vmem>>) offsets(%dma_start3A_123 : memref<128xi32, #tpu.memory_space<vmem>>) semaphore(%arg12 : memref<!tpu.dma_semaphore, #tpu.memory_space<semaphore_mem>>)
        } else {
        }
        %dma_wait3A = arith.constant 0 : i32
        %dma_wait3A_31 = arith.constant 0 : i32
        %dma_wait3A_32 = tpu.memref_slice %arg6[%dma_wait3A, %dma_wait3A_31] : memref<100x128xi32, #tpu.memory_space<vmem>> -> memref<1x128xi32, #tpu.memory_space<vmem>>
        %dma_wait3A_33 = tpu.memref_squeeze %dma_wait3A_32 : memref<1x128xi32, #tpu.memory_space<vmem>> -> memref<128xi32, #tpu.memory_space<vmem>>
        %dma_wait3A_34 = arith.constant 0 : i32
        %dma_wait3A_35 = arith.constant 0 : i32
        %dma_wait3A_36 = tpu.memref_slice %arg4[%dma_wait3A_34, %dma_wait3A_35] : memref<93750x320xf32, #tpu.memory_space<hbm>> -> memref<93750x320xf32, #tpu.memory_space<hbm>>
        tpu.wait_indirect_dma semaphore(%arg11 : memref<!tpu.dma_semaphore, #tpu.memory_space<semaphore_mem>>) src(%dma_wait3A_36 : memref<93750x320xf32, #tpu.memory_space<hbm>>) dst(%arg8 : memref<128x320xf32, #tpu.memory_space<vmem>>)
        %add3A_37 = arith.constant 0 : i32
        %add3A_38 = vector.broadcast %add3A_37 : i32 to vector<16xi32>
        %add3A_39 = arith.addi %add3A_38, %iota3A : vector<16xi32>
        %mul3A_40 = arith.constant 2 : i32
        %mul3A_41 = vector.broadcast %mul3A_40 : i32 to vector<16xi32>
        %mul3A_42 = arith.muli %mul3A_41, %add3A_39 : vector<16xi32>
        %add3A_43 = arith.constant 16 : i32
        %add3A_44 = vector.broadcast %add3A_43 : i32 to vector<16xi32>
        %add3A_45 = arith.addi %add3A_44, %iota3A : vector<16xi32>
        %mul3A_46 = arith.constant 2 : i32
        %mul3A_47 = vector.broadcast %mul3A_46 : i32 to vector<16xi32>
        %mul3A_48 = arith.muli %mul3A_47, %add3A_45 : vector<16xi32>
        %add3A_49 = arith.constant 32 : i32
        %add3A_50 = vector.broadcast %add3A_49 : i32 to vector<16xi32>
        %add3A_51 = arith.addi %add3A_50, %iota3A : vector<16xi32>
        %mul3A_52 = arith.constant 2 : i32
        %mul3A_53 = vector.broadcast %mul3A_52 : i32 to vector<16xi32>
        %mul3A_54 = arith.muli %mul3A_53, %add3A_51 : vector<16xi32>
        %add3A_55 = arith.constant 48 : i32
        %add3A_56 = vector.broadcast %add3A_55 : i32 to vector<16xi32>
        %add3A_57 = arith.addi %add3A_56, %iota3A : vector<16xi32>
        %mul3A_58 = arith.constant 2 : i32
        %mul3A_59 = vector.broadcast %mul3A_58 : i32 to vector<16xi32>
        %mul3A_60 = arith.muli %mul3A_59, %add3A_57 : vector<16xi32>
        %add3A_61 = arith.constant 0 : i32
        %add3A_62 = vector.broadcast %add3A_61 : i32 to vector<16xi32>
        %add3A_63 = arith.addi %add3A_62, %iota3A : vector<16xi32>
        %mul3A_64 = arith.constant 300 : i32
        %mul3A_65 = vector.broadcast %mul3A_64 : i32 to vector<16xi32>
        %mul3A_66 = arith.muli %add3A_63, %mul3A_65 : vector<16xi32>
        %add3A_67 = arith.constant 16 : i32
        %add3A_68 = vector.broadcast %add3A_67 : i32 to vector<16xi32>
        %add3A_69 = arith.addi %add3A_68, %iota3A : vector<16xi32>
        %mul3A_70 = arith.constant 300 : i32
        %mul3A_71 = vector.broadcast %mul3A_70 : i32 to vector<16xi32>
        %mul3A_72 = arith.muli %add3A_69, %mul3A_71 : vector<16xi32>
        %add3A_73 = arith.constant 32 : i32
        %add3A_74 = vector.broadcast %add3A_73 : i32 to vector<16xi32>
        %add3A_75 = arith.addi %add3A_74, %iota3A : vector<16xi32>
        %mul3A_76 = arith.constant 300 : i32
        %mul3A_77 = vector.broadcast %mul3A_76 : i32 to vector<16xi32>
        %mul3A_78 = arith.muli %add3A_75, %mul3A_77 : vector<16xi32>
        %add3A_79 = arith.constant 48 : i32
        %add3A_80 = vector.broadcast %add3A_79 : i32 to vector<16xi32>
        %add3A_81 = arith.addi %add3A_80, %iota3A : vector<16xi32>
        %mul3A_82 = arith.constant 300 : i32
        %mul3A_83 = vector.broadcast %mul3A_82 : i32 to vector<16xi32>
        %mul3A_84 = arith.muli %add3A_81, %mul3A_83 : vector<16xi32>
        %mul3A_85 = arith.constant 64 : i32
        %mul3A_86 = arith.muli %scan3A_14, %mul3A_85 : i32
        %add3A_87 = arith.constant 0 : i32
        %add3A_88 = arith.addi %mul3A_86, %add3A_87 : i32
        %get3A = arith.index_cast %add3A_88 : i32 to index
        %get3A_89 = tpu.vector_load %arg7[%get3A] {strides = array<i32>} : memref<6400xi32, #tpu.memory_space<vmem>>, vector<16xi32>,
        %mul3A_90 = arith.constant 64 : i32
        %mul3A_91 = arith.muli %scan3A_14, %mul3A_90 : i32
        %add3A_92 = arith.constant 16 : i32
        %add3A_93 = arith.addi %mul3A_91, %add3A_92 : i32
        %get3A_94 = arith.index_cast %add3A_93 : i32 to index
        %get3A_95 = tpu.vector_load %arg7[%get3A_94] {strides = array<i32>} : memref<6400xi32, #tpu.memory_space<vmem>>, vector<16xi32>,
        %mul3A_96 = arith.constant 64 : i32
        %mul3A_97 = arith.muli %scan3A_14, %mul3A_96 : i32
        %add3A_98 = arith.constant 32 : i32
        %add3A_99 = arith.addi %mul3A_97, %add3A_98 : i32
        %get3A_100 = arith.index_cast %add3A_99 : i32 to index
        %get3A_101 = tpu.vector_load %arg7[%get3A_100] {strides = array<i32>} : memref<6400xi32, #tpu.memory_space<vmem>>, vector<16xi32>,
        %mul3A_102 = arith.constant 64 : i32
        %mul3A_103 = arith.muli %scan3A_14, %mul3A_102 : i32
        %add3A_104 = arith.constant 48 : i32
        %add3A_105 = arith.addi %mul3A_103, %add3A_104 : i32
        %get3A_106 = arith.index_cast %add3A_105 : i32 to index
        %get3A_107 = tpu.vector_load %arg7[%get3A_106] {strides = array<i32>} : memref<6400xi32, #tpu.memory_space<vmem>>, vector<16xi32>,
        %scan3A_108 = arith.constant 0 : i32
        %scan3A_109 = arith.constant 150 : i32
        %scan3A_110 = arith.addi %scan3A_108, %scan3A_109 : i32
        %scan3A_111 = arith.constant 1 : i32
        %scan3A_112:8 = scf.for %scan3A_119 = %scan3A_108 to %scan3A_110 step %scan3A_111 iter_args(%scan3A_120 = %get3A_89, %scan3A_121 = %mul3A_66, %scan3A_122 = %get3A_95, %scan3A_123 = %mul3A_72, %scan3A_124 = %get3A_101, %scan3A_125 = %mul3A_78, %scan3A_126 = %get3A_107, %scan3A_127 = %mul3A_84) -> (vector<16xi32>, vector<16xi32>, vector<16xi32>, vector<16xi32>, vector<16xi32>, vector<16xi32>, vector<16xi32>, vector<16xi32>)  : i32 {
          %ge3A = arith.constant 320 : i32
          %ge3A_128 = vector.broadcast %ge3A : i32 to vector<16xi32>
          %ge3A_129 = arith.cmpi sge, %scan3A_120, %ge3A_128 : vector<16xi32>
          %convert_element_type3A_130 = arith.extui %ge3A_129 : vector<16xi1> to vector<16xi32>
          %add3A_131 = arith.addi %mul3A_42, %convert_element_type3A_130 : vector<16xi32>
          %sub3A = arith.constant 320 : i32
          %sub3A_132 = vector.broadcast %sub3A : i32 to vector<16xi32>
          %sub3A_133 = arith.subi %scan3A_120, %sub3A_132 : vector<16xi32>
          %select_n3A = arith.select %ge3A_129, %sub3A_133, %scan3A_120 : vector<16xi1>, vector<16xi32>
          %gather3A = tpu.vector_load_idx %arg8[%add3A_131, %select_n3A] : memref<128x320xf32, #tpu.memory_space<vmem>>[vector<16xi32>, vector<16xi32>], vector<16xf32>,
          tpu.vector_store_idx %arg10[%scan3A_121], %gather3A : memref<19216xf32, #tpu.memory_space<vmem>>[vector<16xi32>], vector<16xf32>,
          %add3A_134 = arith.constant 1 : i32
          %add3A_135 = vector.broadcast %add3A_134 : i32 to vector<16xi32>
          %add3A_136 = arith.addi %scan3A_120, %add3A_135 : vector<16xi32>
          %add3A_137 = arith.constant 1 : i32
          %add3A_138 = vector.broadcast %add3A_137 : i32 to vector<16xi32>
          %add3A_139 = arith.addi %scan3A_121, %add3A_138 : vector<16xi32>
          %ge3A_140 = arith.constant 320 : i32
          %ge3A_141 = vector.broadcast %ge3A_140 : i32 to vector<16xi32>
          %ge3A_142 = arith.cmpi sge, %add3A_136, %ge3A_141 : vector<16xi32>
          %convert_element_type3A_143 = arith.extui %ge3A_142 : vector<16xi1> to vector<16xi32>
          %add3A_144 = arith.addi %mul3A_42, %convert_element_type3A_143 : vector<16xi32>
          %sub3A_145 = arith.constant 320 : i32
          %sub3A_146 = vector.broadcast %sub3A_145 : i32 to vector<16xi32>
          %sub3A_147 = arith.subi %add3A_136, %sub3A_146 : vector<16xi32>
          %select_n3A_148 = arith.select %ge3A_142, %sub3A_147, %add3A_136 : vector<16xi1>, vector<16xi32>
          %gather3A_149 = tpu.vector_load_idx %arg8[%add3A_144, %select_n3A_148] : memref<128x320xf32, #tpu.memory_space<vmem>>[vector<16xi32>, vector<16xi32>], vector<16xf32>,
          tpu.vector_store_idx %arg10[%add3A_139], %gather3A_149 : memref<19216xf32, #tpu.memory_space<vmem>>[vector<16xi32>], vector<16xf32>,
          %add3A_150 = arith.constant 1 : i32
          %add3A_151 = vector.broadcast %add3A_150 : i32 to vector<16xi32>
          %add3A_152 = arith.addi %add3A_136, %add3A_151 : vector<16xi32>
          %add3A_153 = arith.constant 1 : i32
          %add3A_154 = vector.broadcast %add3A_153 : i32 to vector<16xi32>
          %add3A_155 = arith.addi %add3A_139, %add3A_154 : vector<16xi32>
          %ge3A_156 = arith.constant 320 : i32
          %ge3A_157 = vector.broadcast %ge3A_156 : i32 to vector<16xi32>
          %ge3A_158 = arith.cmpi sge, %scan3A_122, %ge3A_157 : vector<16xi32>
          %convert_element_type3A_159 = arith.extui %ge3A_158 : vector<16xi1> to vector<16xi32>
          %add3A_160 = arith.addi %mul3A_48, %convert_element_type3A_159 : vector<16xi32>
          %sub3A_161 = arith.constant 320 : i32
          %sub3A_162 = vector.broadcast %sub3A_161 : i32 to vector<16xi32>
          %sub3A_163 = arith.subi %scan3A_122, %sub3A_162 : vector<16xi32>
          %select_n3A_164 = arith.select %ge3A_158, %sub3A_163, %scan3A_122 : vector<16xi1>, vector<16xi32>
          %gather3A_165 = tpu.vector_load_idx %arg8[%add3A_160, %select_n3A_164] : memref<128x320xf32, #tpu.memory_space<vmem>>[vector<16xi32>, vector<16xi32>], vector<16xf32>,
          tpu.vector_store_idx %arg10[%scan3A_123], %gather3A_165 : memref<19216xf32, #tpu.memory_space<vmem>>[vector<16xi32>], vector<16xf32>,
          %add3A_166 = arith.constant 1 : i32
          %add3A_167 = vector.broadcast %add3A_166 : i32 to vector<16xi32>
          %add3A_168 = arith.addi %scan3A_122, %add3A_167 : vector<16xi32>
          %add3A_169 = arith.constant 1 : i32
          %add3A_170 = vector.broadcast %add3A_169 : i32 to vector<16xi32>
          %add3A_171 = arith.addi %scan3A_123, %add3A_170 : vector<16xi32>
          %ge3A_172 = arith.constant 320 : i32
          %ge3A_173 = vector.broadcast %ge3A_172 : i32 to vector<16xi32>
          %ge3A_174 = arith.cmpi sge, %add3A_168, %ge3A_173 : vector<16xi32>
          %convert_element_type3A_175 = arith.extui %ge3A_174 : vector<16xi1> to vector<16xi32>
          %add3A_176 = arith.addi %mul3A_48, %convert_element_type3A_175 : vector<16xi32>
          %sub3A_177 = arith.constant 320 : i32
          %sub3A_178 = vector.broadcast %sub3A_177 : i32 to vector<16xi32>
          %sub3A_179 = arith.subi %add3A_168, %sub3A_178 : vector<16xi32>
          %select_n3A_180 = arith.select %ge3A_174, %sub3A_179, %add3A_168 : vector<16xi1>, vector<16xi32>
          %gather3A_181 = tpu.vector_load_idx %arg8[%add3A_176, %select_n3A_180] : memref<128x320xf32, #tpu.memory_space<vmem>>[vector<16xi32>, vector<16xi32>], vector<16xf32>,
          tpu.vector_store_idx %arg10[%add3A_171], %gather3A_181 : memref<19216xf32, #tpu.memory_space<vmem>>[vector<16xi32>], vector<16xf32>,
          %add3A_182 = arith.constant 1 : i32
          %add3A_183 = vector.broadcast %add3A_182 : i32 to vector<16xi32>
          %add3A_184 = arith.addi %add3A_168, %add3A_183 : vector<16xi32>
          %add3A_185 = arith.constant 1 : i32
          %add3A_186 = vector.broadcast %add3A_185 : i32 to vector<16xi32>
          %add3A_187 = arith.addi %add3A_171, %add3A_186 : vector<16xi32>
          %ge3A_188 = arith.constant 320 : i32
          %ge3A_189 = vector.broadcast %ge3A_188 : i32 to vector<16xi32>
          %ge3A_190 = arith.cmpi sge, %scan3A_124, %ge3A_189 : vector<16xi32>
          %convert_element_type3A_191 = arith.extui %ge3A_190 : vector<16xi1> to vector<16xi32>
          %add3A_192 = arith.addi %mul3A_54, %convert_element_type3A_191 : vector<16xi32>
          %sub3A_193 = arith.constant 320 : i32
          %sub3A_194 = vector.broadcast %sub3A_193 : i32 to vector<16xi32>
          %sub3A_195 = arith.subi %scan3A_124, %sub3A_194 : vector<16xi32>
          %select_n3A_196 = arith.select %ge3A_190, %sub3A_195, %scan3A_124 : vector<16xi1>, vector<16xi32>
          %gather3A_197 = tpu.vector_load_idx %arg8[%add3A_192, %select_n3A_196] : memref<128x320xf32, #tpu.memory_space<vmem>>[vector<16xi32>, vector<16xi32>], vector<16xf32>,
          tpu.vector_store_idx %arg10[%scan3A_125], %gather3A_197 : memref<19216xf32, #tpu.memory_space<vmem>>[vector<16xi32>], vector<16xf32>,
          %add3A_198 = arith.constant 1 : i32
          %add3A_199 = vector.broadcast %add3A_198 : i32 to vector<16xi32>
          %add3A_200 = arith.addi %scan3A_124, %add3A_199 : vector<16xi32>
          %add3A_201 = arith.constant 1 : i32
          %add3A_202 = vector.broadcast %add3A_201 : i32 to vector<16xi32>
          %add3A_203 = arith.addi %scan3A_125, %add3A_202 : vector<16xi32>
          %ge3A_204 = arith.constant 320 : i32
          %ge3A_205 = vector.broadcast %ge3A_204 : i32 to vector<16xi32>
          %ge3A_206 = arith.cmpi sge, %add3A_200, %ge3A_205 : vector<16xi32>
          %convert_element_type3A_207 = arith.extui %ge3A_206 : vector<16xi1> to vector<16xi32>
          %add3A_208 = arith.addi %mul3A_54, %convert_element_type3A_207 : vector<16xi32>
          %sub3A_209 = arith.constant 320 : i32
          %sub3A_210 = vector.broadcast %sub3A_209 : i32 to vector<16xi32>
          %sub3A_211 = arith.subi %add3A_200, %sub3A_210 : vector<16xi32>
          %select_n3A_212 = arith.select %ge3A_206, %sub3A_211, %add3A_200 : vector<16xi1>, vector<16xi32>
          %gather3A_213 = tpu.vector_load_idx %arg8[%add3A_208, %select_n3A_212] : memref<128x320xf32, #tpu.memory_space<vmem>>[vector<16xi32>, vector<16xi32>], vector<16xf32>,
          tpu.vector_store_idx %arg10[%add3A_203], %gather3A_213 : memref<19216xf32, #tpu.memory_space<vmem>>[vector<16xi32>], vector<16xf32>,
          %add3A_214 = arith.constant 1 : i32
          %add3A_215 = vector.broadcast %add3A_214 : i32 to vector<16xi32>
          %add3A_216 = arith.addi %add3A_200, %add3A_215 : vector<16xi32>
          %add3A_217 = arith.constant 1 : i32
          %add3A_218 = vector.broadcast %add3A_217 : i32 to vector<16xi32>
          %add3A_219 = arith.addi %add3A_203, %add3A_218 : vector<16xi32>
          %ge3A_220 = arith.constant 320 : i32
          %ge3A_221 = vector.broadcast %ge3A_220 : i32 to vector<16xi32>
          %ge3A_222 = arith.cmpi sge, %scan3A_126, %ge3A_221 : vector<16xi32>
          %convert_element_type3A_223 = arith.extui %ge3A_222 : vector<16xi1> to vector<16xi32>
          %add3A_224 = arith.addi %mul3A_60, %convert_element_type3A_223 : vector<16xi32>
          %sub3A_225 = arith.constant 320 : i32
          %sub3A_226 = vector.broadcast %sub3A_225 : i32 to vector<16xi32>
          %sub3A_227 = arith.subi %scan3A_126, %sub3A_226 : vector<16xi32>
          %select_n3A_228 = arith.select %ge3A_222, %sub3A_227, %scan3A_126 : vector<16xi1>, vector<16xi32>
          %gather3A_229 = tpu.vector_load_idx %arg8[%add3A_224, %select_n3A_228] : memref<128x320xf32, #tpu.memory_space<vmem>>[vector<16xi32>, vector<16xi32>], vector<16xf32>,
          tpu.vector_store_idx %arg10[%scan3A_127], %gather3A_229 : memref<19216xf32, #tpu.memory_space<vmem>>[vector<16xi32>], vector<16xf32>,
          %add3A_230 = arith.constant 1 : i32
          %add3A_231 = vector.broadcast %add3A_230 : i32 to vector<16xi32>
          %add3A_232 = arith.addi %scan3A_126, %add3A_231 : vector<16xi32>
          %add3A_233 = arith.constant 1 : i32
          %add3A_234 = vector.broadcast %add3A_233 : i32 to vector<16xi32>
          %add3A_235 = arith.addi %scan3A_127, %add3A_234 : vector<16xi32>
          %ge3A_236 = arith.constant 320 : i32
          %ge3A_237 = vector.broadcast %ge3A_236 : i32 to vector<16xi32>
          %ge3A_238 = arith.cmpi sge, %add3A_232, %ge3A_237 : vector<16xi32>
          %convert_element_type3A_239 = arith.extui %ge3A_238 : vector<16xi1> to vector<16xi32>
          %add3A_240 = arith.addi %mul3A_60, %convert_element_type3A_239 : vector<16xi32>
          %sub3A_241 = arith.constant 320 : i32
          %sub3A_242 = vector.broadcast %sub3A_241 : i32 to vector<16xi32>
          %sub3A_243 = arith.subi %add3A_232, %sub3A_242 : vector<16xi32>
          %select_n3A_244 = arith.select %ge3A_238, %sub3A_243, %add3A_232 : vector<16xi1>, vector<16xi32>
          %gather3A_245 = tpu.vector_load_idx %arg8[%add3A_240, %select_n3A_244] : memref<128x320xf32, #tpu.memory_space<vmem>>[vector<16xi32>, vector<16xi32>], vector<16xf32>,
          tpu.vector_store_idx %arg10[%add3A_235], %gather3A_245 : memref<19216xf32, #tpu.memory_space<vmem>>[vector<16xi32>], vector<16xf32>,
          %add3A_246 = arith.constant 1 : i32
          %add3A_247 = vector.broadcast %add3A_246 : i32 to vector<16xi32>
          %add3A_248 = arith.addi %add3A_232, %add3A_247 : vector<16xi32>
          %add3A_249 = arith.constant 1 : i32
          %add3A_250 = vector.broadcast %add3A_249 : i32 to vector<16xi32>
          %add3A_251 = arith.addi %add3A_235, %add3A_250 : vector<16xi32>
          scf.yield %add3A_152, %add3A_155, %add3A_184, %add3A_187, %add3A_216, %add3A_219, %add3A_248, %add3A_251 : vector<16xi32>, vector<16xi32>, vector<16xi32>, vector<16xi32>, vector<16xi32>, vector<16xi32>, vector<16xi32>, vector<16xi32>
        }
        %scan3A_113 = arith.constant 150 : i32
        %mul3A_114 = arith.constant 64 : i32
        %mul3A_115 = arith.muli %scan3A_14, %mul3A_114 : i32
        %add3A_116 = arith.addi %mul3A_2, %mul3A_115 : i32
        %mul3A_117 = arith.constant 300 : i32
        %mul3A_118 = arith.muli %add3A_116, %mul3A_117 : i32
        "tpu.region"() ({
          %run_scoped3A = tpu.sem_alloc : memref<!tpu.dma_semaphore, #tpu.memory_space<semaphore_mem>>
          %dma_start3A_119 = arith.constant 0 : i32
          %dma_start3A_120 = tpu.memref_slice %arg10[%dma_start3A_119] : memref<19216xf32, #tpu.memory_space<vmem>> -> memref<19200xf32, #tpu.memory_space<vmem>>
          %dma_start3A_121 = tpu.memref_slice %arg5[%mul3A_118] : memref<61440000xf32, #tpu.memory_space<hbm>> -> memref<19200xf32, #tpu.memory_space<hbm>>
          %dma_start3A_122 = tpu.memref_slice %arg5[%mul3A_118] : memref<61440000xf32, #tpu.memory_space<hbm>> -> memref<19200xf32, #tpu.memory_space<hbm>>
          %dma_start3A_123 = arith.constant 0 : i32
          %dma_start3A_124 = tpu.memref_slice %arg10[%dma_start3A_123] : memref<19216xf32, #tpu.memory_space<vmem>> -> memref<19200xf32, #tpu.memory_space<vmem>>
          tpu.enqueue_dma source(%dma_start3A_124 : memref<19200xf32, #tpu.memory_space<vmem>>) target(%dma_start3A_122 : memref<19200xf32, #tpu.memory_space<hbm>>) target_semaphore(%run_scoped3A : memref<!tpu.dma_semaphore, #tpu.memory_space<semaphore_mem>>)
          %dma_wait3A_125 = arith.constant 0 : i32
          %dma_wait3A_126 = tpu.memref_slice %arg10[%dma_wait3A_125] : memref<19216xf32, #tpu.memory_space<vmem>> -> memref<19200xf32, #tpu.memory_space<vmem>>
          %dma_wait3A_127 = tpu.memref_slice %arg5[%mul3A_118] : memref<61440000xf32, #tpu.memory_space<hbm>> -> memref<19200xf32, #tpu.memory_space<hbm>>
          %dma_wait3A_128 = tpu.memref_slice %arg5[%mul3A_118] : memref<61440000xf32, #tpu.memory_space<hbm>> -> memref<19200xf32, #tpu.memory_space<hbm>>
          %dma_wait3A_129 = arith.constant 0 : i32
          %dma_wait3A_130 = tpu.memref_slice %arg10[%dma_wait3A_129] : memref<19216xf32, #tpu.memory_space<vmem>> -> memref<19200xf32, #tpu.memory_space<vmem>>
          tpu.wait_dma2 semaphore(%run_scoped3A : memref<!tpu.dma_semaphore, #tpu.memory_space<semaphore_mem>>) src(%dma_wait3A_130 : memref<19200xf32, #tpu.memory_space<vmem>>) dst(%dma_wait3A_128 : memref<19200xf32, #tpu.memory_space<hbm>>)
          tpu.yield
        }) : () -> ()
      } else {
      }
      %rem3A_18 = arith.constant 2 : i32
      %rem3A_19 = arith.remsi %scan3A_14, %rem3A_18 : i32
      %eq3A_20 = arith.constant 1 : i32
      %eq3A_21 = arith.cmpi eq, %rem3A_19, %eq3A_20 : i32
      %convert_element_type3A_22 = arith.extui %eq3A_21 : i1 to i32
      %cond3A_23 = arith.constant 0 : i32
      %cond3A_24 = arith.cmpi ne, %convert_element_type3A_22, %cond3A_23 : i32
      scf.if %cond3A_24 {
        %add3A_25 = arith.constant 1 : i32
        %add3A_26 = arith.addi %scan3A_14, %add3A_25 : i32
        %lt3A = arith.constant 100 : i32
        %lt3A_27 = arith.cmpi slt, %add3A_26, %lt3A : i32
        %convert_element_type3A_28 = arith.extui %lt3A_27 : i1 to i32
        %cond3A_29 = arith.constant 0 : i32
        %cond3A_30 = arith.cmpi ne, %convert_element_type3A_28, %cond3A_29 : i32
        scf.if %cond3A_30 {
          %add3A_119 = arith.constant 1 : i32
          %add3A_120 = arith.addi %scan3A_14, %add3A_119 : i32
          %dma_start3A_121 = arith.constant 0 : i32
          %dma_start3A_122 = tpu.memref_slice %arg6[%add3A_120, %dma_start3A_121] : memref<100x128xi32, #tpu.memory_space<vmem>> -> memref<1x128xi32, #tpu.memory_space<vmem>>
          %dma_start3A_123 = tpu.memref_squeeze %dma_start3A_122 : memref<1x128xi32, #tpu.memory_space<vmem>> -> memref<128xi32, #tpu.memory_space<vmem>>
          %dma_start3A_124 = arith.constant 0 : i32
          %dma_start3A_125 = arith.constant 0 : i32
          %dma_start3A_126 = tpu.memref_slice %arg4[%dma_start3A_124, %dma_start3A_125] : memref<93750x320xf32, #tpu.memory_space<hbm>> -> memref<93750x320xf32, #tpu.memory_space<hbm>>
          tpu.enqueue_indirect_dma source(%dma_start3A_126 : memref<93750x320xf32, #tpu.memory_space<hbm>>) target(%arg8 : memref<128x320xf32, #tpu.memory_space<vmem>>) offsets(%dma_start3A_123 : memref<128xi32, #tpu.memory_space<vmem>>) semaphore(%arg11 : memref<!tpu.dma_semaphore, #tpu.memory_space<semaphore_mem>>)
        } else {
        }
        %dma_wait3A = arith.constant 0 : i32
        %dma_wait3A_31 = arith.constant 0 : i32
        %dma_wait3A_32 = tpu.memref_slice %arg6[%dma_wait3A, %dma_wait3A_31] : memref<100x128xi32, #tpu.memory_space<vmem>> -> memref<1x128xi32, #tpu.memory_space<vmem>>
        %dma_wait3A_33 = tpu.memref_squeeze %dma_wait3A_32 : memref<1x128xi32, #tpu.memory_space<vmem>> -> memref<128xi32, #tpu.memory_space<vmem>>
        %dma_wait3A_34 = arith.constant 0 : i32
        %dma_wait3A_35 = arith.constant 0 : i32
        %dma_wait3A_36 = tpu.memref_slice %arg4[%dma_wait3A_34, %dma_wait3A_35] : memref<93750x320xf32, #tpu.memory_space<hbm>> -> memref<93750x320xf32, #tpu.memory_space<hbm>>
        tpu.wait_indirect_dma semaphore(%arg12 : memref<!tpu.dma_semaphore, #tpu.memory_space<semaphore_mem>>) src(%dma_wait3A_36 : memref<93750x320xf32, #tpu.memory_space<hbm>>) dst(%arg9 : memref<128x320xf32, #tpu.memory_space<vmem>>)
        %add3A_37 = arith.constant 0 : i32
        %add3A_38 = vector.broadcast %add3A_37 : i32 to vector<16xi32>
        %add3A_39 = arith.addi %add3A_38, %iota3A : vector<16xi32>
        %mul3A_40 = arith.constant 2 : i32
        %mul3A_41 = vector.broadcast %mul3A_40 : i32 to vector<16xi32>
        %mul3A_42 = arith.muli %mul3A_41, %add3A_39 : vector<16xi32>
        %add3A_43 = arith.constant 16 : i32
        %add3A_44 = vector.broadcast %add3A_43 : i32 to vector<16xi32>
        %add3A_45 = arith.addi %add3A_44, %iota3A : vector<16xi32>
        %mul3A_46 = arith.constant 2 : i32
        %mul3A_47 = vector.broadcast %mul3A_46 : i32 to vector<16xi32>
        %mul3A_48 = arith.muli %mul3A_47, %add3A_45 : vector<16xi32>
        %add3A_49 = arith.constant 32 : i32
        %add3A_50 = vector.broadcast %add3A_49 : i32 to vector<16xi32>
        %add3A_51 = arith.addi %add3A_50, %iota3A : vector<16xi32>
        %mul3A_52 = arith.constant 2 : i32
        %mul3A_53 = vector.broadcast %mul3A_52 : i32 to vector<16xi32>
        %mul3A_54 = arith.muli %mul3A_53, %add3A_51 : vector<16xi32>
        %add3A_55 = arith.constant 48 : i32
        %add3A_56 = vector.broadcast %add3A_55 : i32 to vector<16xi32>
        %add3A_57 = arith.addi %add3A_56, %iota3A : vector<16xi32>
        %mul3A_58 = arith.constant 2 : i32
        %mul3A_59 = vector.broadcast %mul3A_58 : i32 to vector<16xi32>
        %mul3A_60 = arith.muli %mul3A_59, %add3A_57 : vector<16xi32>
        %add3A_61 = arith.constant 0 : i32
        %add3A_62 = vector.broadcast %add3A_61 : i32 to vector<16xi32>
        %add3A_63 = arith.addi %add3A_62, %iota3A : vector<16xi32>
        %mul3A_64 = arith.constant 300 : i32
        %mul3A_65 = vector.broadcast %mul3A_64 : i32 to vector<16xi32>
        %mul3A_66 = arith.muli %add3A_63, %mul3A_65 : vector<16xi32>
        %add3A_67 = arith.constant 16 : i32
        %add3A_68 = vector.broadcast %add3A_67 : i32 to vector<16xi32>
        %add3A_69 = arith.addi %add3A_68, %iota3A : vector<16xi32>
        %mul3A_70 = arith.constant 300 : i32
        %mul3A_71 = vector.broadcast %mul3A_70 : i32 to vector<16xi32>
        %mul3A_72 = arith.muli %add3A_69, %mul3A_71 : vector<16xi32>
        %add3A_73 = arith.constant 32 : i32
        %add3A_74 = vector.broadcast %add3A_73 : i32 to vector<16xi32>
        %add3A_75 = arith.addi %add3A_74, %iota3A : vector<16xi32>
        %mul3A_76 = arith.constant 300 : i32
        %mul3A_77 = vector.broadcast %mul3A_76 : i32 to vector<16xi32>
        %mul3A_78 = arith.muli %add3A_75, %mul3A_77 : vector<16xi32>
        %add3A_79 = arith.constant 48 : i32
        %add3A_80 = vector.broadcast %add3A_79 : i32 to vector<16xi32>
        %add3A_81 = arith.addi %add3A_80, %iota3A : vector<16xi32>
        %mul3A_82 = arith.constant 300 : i32
        %mul3A_83 = vector.broadcast %mul3A_82 : i32 to vector<16xi32>
        %mul3A_84 = arith.muli %add3A_81, %mul3A_83 : vector<16xi32>
        %mul3A_85 = arith.constant 64 : i32
        %mul3A_86 = arith.muli %scan3A_14, %mul3A_85 : i32
        %add3A_87 = arith.constant 0 : i32
        %add3A_88 = arith.addi %mul3A_86, %add3A_87 : i32
        %get3A = arith.index_cast %add3A_88 : i32 to index
        %get3A_89 = tpu.vector_load %arg7[%get3A] {strides = array<i32>} : memref<6400xi32, #tpu.memory_space<vmem>>, vector<16xi32>,
        %mul3A_90 = arith.constant 64 : i32
        %mul3A_91 = arith.muli %scan3A_14, %mul3A_90 : i32
        %add3A_92 = arith.constant 16 : i32
        %add3A_93 = arith.addi %mul3A_91, %add3A_92 : i32
        %get3A_94 = arith.index_cast %add3A_93 : i32 to index
        %get3A_95 = tpu.vector_load %arg7[%get3A_94] {strides = array<i32>} : memref<6400xi32, #tpu.memory_space<vmem>>, vector<16xi32>,
        %mul3A_96 = arith.constant 64 : i32
        %mul3A_97 = arith.muli %scan3A_14, %mul3A_96 : i32
        %add3A_98 = arith.constant 32 : i32
        %add3A_99 = arith.addi %mul3A_97, %add3A_98 : i32
        %get3A_100 = arith.index_cast %add3A_99 : i32 to index
        %get3A_101 = tpu.vector_load %arg7[%get3A_100] {strides = array<i32>} : memref<6400xi32, #tpu.memory_space<vmem>>, vector<16xi32>,
        %mul3A_102 = arith.constant 64 : i32
        %mul3A_103 = arith.muli %scan3A_14, %mul3A_102 : i32
        %add3A_104 = arith.constant 48 : i32
        %add3A_105 = arith.addi %mul3A_103, %add3A_104 : i32
        %get3A_106 = arith.index_cast %add3A_105 : i32 to index
        %get3A_107 = tpu.vector_load %arg7[%get3A_106] {strides = array<i32>} : memref<6400xi32, #tpu.memory_space<vmem>>, vector<16xi32>,
        %scan3A_108 = arith.constant 0 : i32
        %scan3A_109 = arith.constant 150 : i32
        %scan3A_110 = arith.addi %scan3A_108, %scan3A_109 : i32
        %scan3A_111 = arith.constant 1 : i32
        %scan3A_112:8 = scf.for %scan3A_119 = %scan3A_108 to %scan3A_110 step %scan3A_111 iter_args(%scan3A_120 = %get3A_89, %scan3A_121 = %mul3A_66, %scan3A_122 = %get3A_95, %scan3A_123 = %mul3A_72, %scan3A_124 = %get3A_101, %scan3A_125 = %mul3A_78, %scan3A_126 = %get3A_107, %scan3A_127 = %mul3A_84) -> (vector<16xi32>, vector<16xi32>, vector<16xi32>, vector<16xi32>, vector<16xi32>, vector<16xi32>, vector<16xi32>, vector<16xi32>)  : i32 {
          %ge3A = arith.constant 320 : i32
          %ge3A_128 = vector.broadcast %ge3A : i32 to vector<16xi32>
          %ge3A_129 = arith.cmpi sge, %scan3A_120, %ge3A_128 : vector<16xi32>
          %convert_element_type3A_130 = arith.extui %ge3A_129 : vector<16xi1> to vector<16xi32>
          %add3A_131 = arith.addi %mul3A_42, %convert_element_type3A_130 : vector<16xi32>
          %sub3A = arith.constant 320 : i32
          %sub3A_132 = vector.broadcast %sub3A : i32 to vector<16xi32>
          %sub3A_133 = arith.subi %scan3A_120, %sub3A_132 : vector<16xi32>
          %select_n3A = arith.select %ge3A_129, %sub3A_133, %scan3A_120 : vector<16xi1>, vector<16xi32>
          %gather3A = tpu.vector_load_idx %arg9[%add3A_131, %select_n3A] : memref<128x320xf32, #tpu.memory_space<vmem>>[vector<16xi32>, vector<16xi32>], vector<16xf32>,
          tpu.vector_store_idx %arg10[%scan3A_121], %gather3A : memref<19216xf32, #tpu.memory_space<vmem>>[vector<16xi32>], vector<16xf32>,
          %add3A_134 = arith.constant 1 : i32
          %add3A_135 = vector.broadcast %add3A_134 : i32 to vector<16xi32>
          %add3A_136 = arith.addi %scan3A_120, %add3A_135 : vector<16xi32>
          %add3A_137 = arith.constant 1 : i32
          %add3A_138 = vector.broadcast %add3A_137 : i32 to vector<16xi32>
          %add3A_139 = arith.addi %scan3A_121, %add3A_138 : vector<16xi32>
          %ge3A_140 = arith.constant 320 : i32
          %ge3A_141 = vector.broadcast %ge3A_140 : i32 to vector<16xi32>
          %ge3A_142 = arith.cmpi sge, %add3A_136, %ge3A_141 : vector<16xi32>
          %convert_element_type3A_143 = arith.extui %ge3A_142 : vector<16xi1> to vector<16xi32>
          %add3A_144 = arith.addi %mul3A_42, %convert_element_type3A_143 : vector<16xi32>
          %sub3A_145 = arith.constant 320 : i32
          %sub3A_146 = vector.broadcast %sub3A_145 : i32 to vector<16xi32>
          %sub3A_147 = arith.subi %add3A_136, %sub3A_146 : vector<16xi32>
          %select_n3A_148 = arith.select %ge3A_142, %sub3A_147, %add3A_136 : vector<16xi1>, vector<16xi32>
          %gather3A_149 = tpu.vector_load_idx %arg9[%add3A_144, %select_n3A_148] : memref<128x320xf32, #tpu.memory_space<vmem>>[vector<16xi32>, vector<16xi32>], vector<16xf32>,
          tpu.vector_store_idx %arg10[%add3A_139], %gather3A_149 : memref<19216xf32, #tpu.memory_space<vmem>>[vector<16xi32>], vector<16xf32>,
          %add3A_150 = arith.constant 1 : i32
          %add3A_151 = vector.broadcast %add3A_150 : i32 to vector<16xi32>
          %add3A_152 = arith.addi %add3A_136, %add3A_151 : vector<16xi32>
          %add3A_153 = arith.constant 1 : i32
          %add3A_154 = vector.broadcast %add3A_153 : i32 to vector<16xi32>
          %add3A_155 = arith.addi %add3A_139, %add3A_154 : vector<16xi32>
          %ge3A_156 = arith.constant 320 : i32
          %ge3A_157 = vector.broadcast %ge3A_156 : i32 to vector<16xi32>
          %ge3A_158 = arith.cmpi sge, %scan3A_122, %ge3A_157 : vector<16xi32>
          %convert_element_type3A_159 = arith.extui %ge3A_158 : vector<16xi1> to vector<16xi32>
          %add3A_160 = arith.addi %mul3A_48, %convert_element_type3A_159 : vector<16xi32>
          %sub3A_161 = arith.constant 320 : i32
          %sub3A_162 = vector.broadcast %sub3A_161 : i32 to vector<16xi32>
          %sub3A_163 = arith.subi %scan3A_122, %sub3A_162 : vector<16xi32>
          %select_n3A_164 = arith.select %ge3A_158, %sub3A_163, %scan3A_122 : vector<16xi1>, vector<16xi32>
          %gather3A_165 = tpu.vector_load_idx %arg9[%add3A_160, %select_n3A_164] : memref<128x320xf32, #tpu.memory_space<vmem>>[vector<16xi32>, vector<16xi32>], vector<16xf32>,
          tpu.vector_store_idx %arg10[%scan3A_123], %gather3A_165 : memref<19216xf32, #tpu.memory_space<vmem>>[vector<16xi32>], vector<16xf32>,
          %add3A_166 = arith.constant 1 : i32
          %add3A_167 = vector.broadcast %add3A_166 : i32 to vector<16xi32>
          %add3A_168 = arith.addi %scan3A_122, %add3A_167 : vector<16xi32>
          %add3A_169 = arith.constant 1 : i32
          %add3A_170 = vector.broadcast %add3A_169 : i32 to vector<16xi32>
          %add3A_171 = arith.addi %scan3A_123, %add3A_170 : vector<16xi32>
          %ge3A_172 = arith.constant 320 : i32
          %ge3A_173 = vector.broadcast %ge3A_172 : i32 to vector<16xi32>
          %ge3A_174 = arith.cmpi sge, %add3A_168, %ge3A_173 : vector<16xi32>
          %convert_element_type3A_175 = arith.extui %ge3A_174 : vector<16xi1> to vector<16xi32>
          %add3A_176 = arith.addi %mul3A_48, %convert_element_type3A_175 : vector<16xi32>
          %sub3A_177 = arith.constant 320 : i32
          %sub3A_178 = vector.broadcast %sub3A_177 : i32 to vector<16xi32>
          %sub3A_179 = arith.subi %add3A_168, %sub3A_178 : vector<16xi32>
          %select_n3A_180 = arith.select %ge3A_174, %sub3A_179, %add3A_168 : vector<16xi1>, vector<16xi32>
          %gather3A_181 = tpu.vector_load_idx %arg9[%add3A_176, %select_n3A_180] : memref<128x320xf32, #tpu.memory_space<vmem>>[vector<16xi32>, vector<16xi32>], vector<16xf32>,
          tpu.vector_store_idx %arg10[%add3A_171], %gather3A_181 : memref<19216xf32, #tpu.memory_space<vmem>>[vector<16xi32>], vector<16xf32>,
          %add3A_182 = arith.constant 1 : i32
          %add3A_183 = vector.broadcast %add3A_182 : i32 to vector<16xi32>
          %add3A_184 = arith.addi %add3A_168, %add3A_183 : vector<16xi32>
          %add3A_185 = arith.constant 1 : i32
          %add3A_186 = vector.broadcast %add3A_185 : i32 to vector<16xi32>
          %add3A_187 = arith.addi %add3A_171, %add3A_186 : vector<16xi32>
          %ge3A_188 = arith.constant 320 : i32
          %ge3A_189 = vector.broadcast %ge3A_188 : i32 to vector<16xi32>
          %ge3A_190 = arith.cmpi sge, %scan3A_124, %ge3A_189 : vector<16xi32>
          %convert_element_type3A_191 = arith.extui %ge3A_190 : vector<16xi1> to vector<16xi32>
          %add3A_192 = arith.addi %mul3A_54, %convert_element_type3A_191 : vector<16xi32>
          %sub3A_193 = arith.constant 320 : i32
          %sub3A_194 = vector.broadcast %sub3A_193 : i32 to vector<16xi32>
          %sub3A_195 = arith.subi %scan3A_124, %sub3A_194 : vector<16xi32>
          %select_n3A_196 = arith.select %ge3A_190, %sub3A_195, %scan3A_124 : vector<16xi1>, vector<16xi32>
          %gather3A_197 = tpu.vector_load_idx %arg9[%add3A_192, %select_n3A_196] : memref<128x320xf32, #tpu.memory_space<vmem>>[vector<16xi32>, vector<16xi32>], vector<16xf32>,
          tpu.vector_store_idx %arg10[%scan3A_125], %gather3A_197 : memref<19216xf32, #tpu.memory_space<vmem>>[vector<16xi32>], vector<16xf32>,
          %add3A_198 = arith.constant 1 : i32
          %add3A_199 = vector.broadcast %add3A_198 : i32 to vector<16xi32>
          %add3A_200 = arith.addi %scan3A_124, %add3A_199 : vector<16xi32>
          %add3A_201 = arith.constant 1 : i32
          %add3A_202 = vector.broadcast %add3A_201 : i32 to vector<16xi32>
          %add3A_203 = arith.addi %scan3A_125, %add3A_202 : vector<16xi32>
          %ge3A_204 = arith.constant 320 : i32
          %ge3A_205 = vector.broadcast %ge3A_204 : i32 to vector<16xi32>
          %ge3A_206 = arith.cmpi sge, %add3A_200, %ge3A_205 : vector<16xi32>
          %convert_element_type3A_207 = arith.extui %ge3A_206 : vector<16xi1> to vector<16xi32>
          %add3A_208 = arith.addi %mul3A_54, %convert_element_type3A_207 : vector<16xi32>
          %sub3A_209 = arith.constant 320 : i32
          %sub3A_210 = vector.broadcast %sub3A_209 : i32 to vector<16xi32>
          %sub3A_211 = arith.subi %add3A_200, %sub3A_210 : vector<16xi32>
          %select_n3A_212 = arith.select %ge3A_206, %sub3A_211, %add3A_200 : vector<16xi1>, vector<16xi32>
          %gather3A_213 = tpu.vector_load_idx %arg9[%add3A_208, %select_n3A_212] : memref<128x320xf32, #tpu.memory_space<vmem>>[vector<16xi32>, vector<16xi32>], vector<16xf32>,
          tpu.vector_store_idx %arg10[%add3A_203], %gather3A_213 : memref<19216xf32, #tpu.memory_space<vmem>>[vector<16xi32>], vector<16xf32>,
          %add3A_214 = arith.constant 1 : i32
          %add3A_215 = vector.broadcast %add3A_214 : i32 to vector<16xi32>
          %add3A_216 = arith.addi %add3A_200, %add3A_215 : vector<16xi32>
          %add3A_217 = arith.constant 1 : i32
          %add3A_218 = vector.broadcast %add3A_217 : i32 to vector<16xi32>
          %add3A_219 = arith.addi %add3A_203, %add3A_218 : vector<16xi32>
          %ge3A_220 = arith.constant 320 : i32
          %ge3A_221 = vector.broadcast %ge3A_220 : i32 to vector<16xi32>
          %ge3A_222 = arith.cmpi sge, %scan3A_126, %ge3A_221 : vector<16xi32>
          %convert_element_type3A_223 = arith.extui %ge3A_222 : vector<16xi1> to vector<16xi32>
          %add3A_224 = arith.addi %mul3A_60, %convert_element_type3A_223 : vector<16xi32>
          %sub3A_225 = arith.constant 320 : i32
          %sub3A_226 = vector.broadcast %sub3A_225 : i32 to vector<16xi32>
          %sub3A_227 = arith.subi %scan3A_126, %sub3A_226 : vector<16xi32>
          %select_n3A_228 = arith.select %ge3A_222, %sub3A_227, %scan3A_126 : vector<16xi1>, vector<16xi32>
          %gather3A_229 = tpu.vector_load_idx %arg9[%add3A_224, %select_n3A_228] : memref<128x320xf32, #tpu.memory_space<vmem>>[vector<16xi32>, vector<16xi32>], vector<16xf32>,
          tpu.vector_store_idx %arg10[%scan3A_127], %gather3A_229 : memref<19216xf32, #tpu.memory_space<vmem>>[vector<16xi32>], vector<16xf32>,
          %add3A_230 = arith.constant 1 : i32
          %add3A_231 = vector.broadcast %add3A_230 : i32 to vector<16xi32>
          %add3A_232 = arith.addi %scan3A_126, %add3A_231 : vector<16xi32>
          %add3A_233 = arith.constant 1 : i32
          %add3A_234 = vector.broadcast %add3A_233 : i32 to vector<16xi32>
          %add3A_235 = arith.addi %scan3A_127, %add3A_234 : vector<16xi32>
          %ge3A_236 = arith.constant 320 : i32
          %ge3A_237 = vector.broadcast %ge3A_236 : i32 to vector<16xi32>
          %ge3A_238 = arith.cmpi sge, %add3A_232, %ge3A_237 : vector<16xi32>
          %convert_element_type3A_239 = arith.extui %ge3A_238 : vector<16xi1> to vector<16xi32>
          %add3A_240 = arith.addi %mul3A_60, %convert_element_type3A_239 : vector<16xi32>
          %sub3A_241 = arith.constant 320 : i32
          %sub3A_242 = vector.broadcast %sub3A_241 : i32 to vector<16xi32>
          %sub3A_243 = arith.subi %add3A_232, %sub3A_242 : vector<16xi32>
          %select_n3A_244 = arith.select %ge3A_238, %sub3A_243, %add3A_232 : vector<16xi1>, vector<16xi32>
          %gather3A_245 = tpu.vector_load_idx %arg9[%add3A_240, %select_n3A_244] : memref<128x320xf32, #tpu.memory_space<vmem>>[vector<16xi32>, vector<16xi32>], vector<16xf32>,
          tpu.vector_store_idx %arg10[%add3A_235], %gather3A_245 : memref<19216xf32, #tpu.memory_space<vmem>>[vector<16xi32>], vector<16xf32>,
          %add3A_246 = arith.constant 1 : i32
          %add3A_247 = vector.broadcast %add3A_246 : i32 to vector<16xi32>
          %add3A_248 = arith.addi %add3A_232, %add3A_247 : vector<16xi32>
          %add3A_249 = arith.constant 1 : i32
          %add3A_250 = vector.broadcast %add3A_249 : i32 to vector<16xi32>
          %add3A_251 = arith.addi %add3A_235, %add3A_250 : vector<16xi32>
          scf.yield %add3A_152, %add3A_155, %add3A_184, %add3A_187, %add3A_216, %add3A_219, %add3A_248, %add3A_251 : vector<16xi32>, vector<16xi32>, vector<16xi32>, vector<16xi32>, vector<16xi32>, vector<16xi32>, vector<16xi32>, vector<16xi32>
        }
        %scan3A_113 = arith.constant 150 : i32
        %mul3A_114 = arith.constant 64 : i32
        %mul3A_115 = arith.muli %scan3A_14, %mul3A_114 : i32
        %add3A_116 = arith.addi %mul3A_2, %mul3A_115 : i32
        %mul3A_117 = arith.constant 300 : i32
        %mul3A_118 = arith.muli %add3A_116, %mul3A_117 : i32
        "tpu.region"() ({
          %run_scoped3A = tpu.sem_alloc : memref<!tpu.dma_semaphore, #tpu.memory_space<semaphore_mem>>
          %dma_start3A_119 = arith.constant 0 : i32
          %dma_start3A_120 = tpu.memref_slice %arg10[%dma_start3A_119] : memref<19216xf32, #tpu.memory_space<vmem>> -> memref<19200xf32, #tpu.memory_space<vmem>>
          %dma_start3A_121 = tpu.memref_slice %arg5[%mul3A_118] : memref<61440000xf32, #tpu.memory_space<hbm>> -> memref<19200xf32, #tpu.memory_space<hbm>>
          %dma_start3A_122 = tpu.memref_slice %arg5[%mul3A_118] : memref<61440000xf32, #tpu.memory_space<hbm>> -> memref<19200xf32, #tpu.memory_space<hbm>>
          %dma_start3A_123 = arith.constant 0 : i32
          %dma_start3A_124 = tpu.memref_slice %arg10[%dma_start3A_123] : memref<19216xf32, #tpu.memory_space<vmem>> -> memref<19200xf32, #tpu.memory_space<vmem>>
          tpu.enqueue_dma source(%dma_start3A_124 : memref<19200xf32, #tpu.memory_space<vmem>>) target(%dma_start3A_122 : memref<19200xf32, #tpu.memory_space<hbm>>) target_semaphore(%run_scoped3A : memref<!tpu.dma_semaphore, #tpu.memory_space<semaphore_mem>>)
          %dma_wait3A_125 = arith.constant 0 : i32
          %dma_wait3A_126 = tpu.memref_slice %arg10[%dma_wait3A_125] : memref<19216xf32, #tpu.memory_space<vmem>> -> memref<19200xf32, #tpu.memory_space<vmem>>
          %dma_wait3A_127 = tpu.memref_slice %arg5[%mul3A_118] : memref<61440000xf32, #tpu.memory_space<hbm>> -> memref<19200xf32, #tpu.memory_space<hbm>>
          %dma_wait3A_128 = tpu.memref_slice %arg5[%mul3A_118] : memref<61440000xf32, #tpu.memory_space<hbm>> -> memref<19200xf32, #tpu.memory_space<hbm>>
          %dma_wait3A_129 = arith.constant 0 : i32
          %dma_wait3A_130 = tpu.memref_slice %arg10[%dma_wait3A_129] : memref<19216xf32, #tpu.memory_space<vmem>> -> memref<19200xf32, #tpu.memory_space<vmem>>
          tpu.wait_dma2 semaphore(%run_scoped3A : memref<!tpu.dma_semaphore, #tpu.memory_space<semaphore_mem>>) src(%dma_wait3A_130 : memref<19200xf32, #tpu.memory_space<vmem>>) dst(%dma_wait3A_128 : memref<19200xf32, #tpu.memory_space<hbm>>)
          tpu.yield
        }) : () -> ()
      } else {
      }
    }
    %scan3A_13 = arith.constant 100 : i32
    return
  }
}

</mosaic_0001>

<sc_bundles>
// kernel: kernel.3.cloned.1.call-start
scs
__scs_entry_jumppad:
0x0: {  	(pc) =	sbr.rel $0x88, $3  }
0x1: {  	(tag) =	ssettag $0x0;
	lr =	simm.s32 $0x1  }
0x2: {  	[smem:$0x3F9F] =	sst lr;
	_ =	strace $0xD0000000  }
0x3: {  	_ = 	snop  }
0x4: {  	_ = 	snop  }
0x5: {  	_ = 	snop  }
0x6: {  	_ = 	snop  }
0x7: {  	_ = 	snop  }
__scs_overlays_trampoline_lowered:
0x8: {  	[smem:$0x3FAE] =	sst s0  }
0x9: {  	[smem:$0x3FAF] =	sst s1  }
0xa: {  	[smem:$0x3FB0] =	sst s2  }
0xb: {  	[smem:$0x3FB1] =	sst s3  }
0xc: {  	[smem:$0x3FB2] =	sst s4  }
0xd: {  	[smem:$0x3FB3] =	sst s5  }
0xe: {  	[smem:$0x3FB4] =	sst s6  }
0xf: {  	[smem:$0x3FB5] =	sst s7  }
0x10: {  	[smem:$0x3FB6] =	sst s8  }
0x11: {  	[smem:$0x3FB7] =	sst s9;
	s0 =	simm.s32 @!p0 $0x0  }
0x12: {  	s1 =	sld [smem:$0x3F9D];
	s0 =	simm.s32 @p0 $0x1  }
0x13: {  	[smem:$0x3FB8] =	sst s0;
	s0 =	simm.s32 @!p1 $0x0  }
0x14: {  	s2 =	sld [smem:$0x3F9C];
	s0 =	simm.s32 @p1 $0x1  }
0x15: {  	[smem:$0x3FB9] =	sst s0;
	s0 =	simm.s32 @!p2 $0x0  }
0x16: {  	s3 =	sld [smem:$0x3FDB];
	s0 =	simm.s32 @p2 $0x1  }
0x17: {  	s4 =	simm.s32 $0x1BF5;
	[smem:$0x3FBB] =	sst s0  }
0x18: {  	s0 =	sld [smem:$0x3F9E];
	_ =	swait.ge [sflag:s4], $0x0  }
0x19: {  	s7 =	sld [smem:$0x3F9F]  }
0x1a: {  	s8 =	sadd.s32 $0xFFFFE003, lr  }
0x1b: {  	s9 =	sadd.s32 $0xFFFFFEF7, lr;
	s5 =	simm.s32 $0xFFFFFFFF;
	p2 =	slt.u32 s8, $0xFFFFF086  }
0x1c: {  	p1 =	slt.u32 s9, $0xF7A;
	s5 =	simm.s32 @!p2 $0x0  }
0x1d: {  	s5 =	simm.s32 @p1 $0x1;
	p0 =	seq.s32 s7, s2  }
0x1e: {  	s7 =	smul.u32 @!p0 $0xF7A, s2;
	p2 =	seq.s32 @!p0 s5, $0x0  }
0x1f: {  	s9 =	smul.u32 $0xF7A, s1;
	s8 =	simm.s32 @!p0 $0x1BF5;
	p2 =	por !p2, p0  }
0x20: {  	[sflag:s8] =	ssyncset.s32 @!p0 $0xFFFFF086;
	s6 =	sadd.s32 @!p0 s3, s7;
	s7 =	simm.s32 @!p0 $0x108  }
0x21: {  	s3 =	sadd.s32 s3, s9;
	s6 =	sadd.s32 @!p0 $0x88, s6;
	s7 =	simm.s32 @p2 $0x1082  }
0x22: {  	[simem:s7], [sflag:s8] =	dma.local @!p0 [hbm:s6], $0xF7A  }
0x23: {  	s9 =	sor.u32 $0xD0000000, s2;
	s6 =	simm.s32 $0x108;
	_ =	swait.ge @!p0 [sflag:s8], $0x0  }
0x24: {  	s3 =	sadd.s32 $0x88, s3;
	s6 =	simm.s32 @!p1 $0x1082;
	[sflag:s4] =	ssyncset.s32 $0xFFFFF086  }
0x25: {  	[simem:s6], [sflag:s4] =	dma.local [hbm:s3], $0xF7A  }
0x26: {  	[smem:$0x3F9F] =	sst s1;
	(tag) =	ssettag s2;
	_ =	strace s9  }
0x27: {  	s1 =	sld [smem:$0x3FAF]  }
0x28: {  	s2 =	sld [smem:$0x3FB0]  }
0x29: {  	s4 =	sld [smem:$0x3FB2]  }
0x2a: {  	p0 =	seq.s32 s5, $0x0;
	s5 =	sld [smem:$0x3FB3]  }
0x2b: {  	s6 =	sld [smem:$0x3FB4]  }
0x2c: {  	s7 =	sld [smem:$0x3FB5]  }
0x2d: {  	s3 =	simm.s32 $0x108;
	s8 =	sld [smem:$0x3FB6]  }
0x2e: {  	s3 =	simm.s32 @!p0 $0x1082;
	s9 =	sld [smem:$0x3FB7]  }
0x2f: {  	lr =	sadd.s32 s0, s3;
	s0 =	sld [smem:$0x3FAE]  }
0x30: {  	s3 =	sld [smem:$0x3FB1]  }
0x31: {  	[smem:$0x3FBA] =	sst s10  }
0x32: {  	s10 =	sld [smem:$0x3FB8];
	_ =	sdelay $0x3  }
0x33: {  	p0 =	seq.s32 s10, $0x1;
	s10 =	sld [smem:$0x3FBA];
	_ =	sdelay $0x3  }
0x34: {  	[smem:$0x3FBA] =	sst s10  }
0x35: {  	s10 =	sld [smem:$0x3FB9];
	_ =	sdelay $0x3  }
0x36: {  	p1 =	seq.s32 s10, $0x1;
	s10 =	sld [smem:$0x3FBA];
	_ =	sdelay $0x3  }
0x37: {  	[smem:$0x3FBA] =	sst s10  }
0x38: {  	s10 =	sld [smem:$0x3FBB]  }
0x39: {  	_ = 	snop;
	(pc) =	sbr.ind lr, $3  }
0x3a: {  	_ = 	snop  }
0x3b: {  	_ = 	snop  }
0x3c: {  	p2 =	seq.s32 s10, $0x1;
	s10 =	sld [smem:$0x3FBA]  }
0x3d: {  	_ =	shalt  }
0x3e: {  	_ =	shalt  }
0x3f: {  	_ =	shalt  }
0x40: {  	_ =	shalt  }
0x41: {  	_ =	shalt  }
0x42: {  	_ =	shalt  }
0x43: {  	_ =	shalt  }
0x44: {  	_ =	shalt  }
0x45: {  	_ =	shalt  }
0x46: {  	_ =	shalt  }
0x47: {  	_ =	shalt  }
0x48: {  	_ =	shalt  }
0x49: {  	_ =	shalt  }
0x4a: {  	_ =	shalt  }
0x4b: {  	_ =	shalt  }
0x4c: {  	_ =	shalt  }
0x4d: {  	_ =	shalt  }
0x4e: {  	_ =	shalt  }
0x4f: {  	_ =	shalt  }
0x50: {  	_ =	shalt  }
0x51: {  	_ =	shalt  }
0x52: {  	_ =	shalt  }
0x53: {  	_ =	shalt  }
0x54: {  	_ =	shalt  }
0x55: {  	_ =	shalt  }
0x56: {  	_ =	shalt  }
0x57: {  	_ =	shalt  }
0x58: {  	_ =	shalt  }
0x59: {  	_ =	shalt  }
0x5a: {  	_ =	shalt  }
0x5b: {  	_ =	shalt  }
0x5c: {  	_ =	shalt  }
0x5d: {  	_ =	shalt  }
0x5e: {  	_ =	shalt  }
0x5f: {  	_ =	shalt  }
0x60: {  	_ =	shalt  }
0x61: {  	_ =	shalt  }
0x62: {  	_ =	shalt  }
0x63: {  	_ =	shalt  }
0x64: {  	_ =	shalt  }
0x65: {  	_ =	shalt  }
0x66: {  	_ =	shalt  }
0x67: {  	_ =	shalt  }
0x68: {  	_ =	shalt  }
0x69: {  	_ =	shalt  }
0x6a: {  	_ =	shalt  }
0x6b: {  	_ =	shalt  }
0x6c: {  	_ =	shalt  }
0x6d: {  	_ =	shalt  }
0x6e: {  	_ =	shalt  }
0x6f: {  	_ =	shalt  }
0x70: {  	_ =	shalt  }
0x71: {  	_ =	shalt  }
0x72: {  	_ =	shalt  }
0x73: {  	_ =	shalt  }
0x74: {  	_ =	shalt  }
0x75: {  	_ =	shalt  }
0x76: {  	_ =	shalt  }
0x77: {  	_ =	shalt  }
0x78: {  	_ =	shalt  }
0x79: {  	_ =	shalt  }
0x7a: {  	_ =	shalt  }
0x7b: {  	_ =	shalt  }
0x7c: {  	_ =	shalt  }
0x7d: {  	_ =	shalt  }
0x7e: {  	_ =	shalt  }
0x7f: {  	_ =	shalt  }
0x80: {  	_ =	shalt  }
0x81: {  	_ =	shalt  }
0x82: {  	_ =	shalt  }
0x83: {  	_ =	shalt  }
0x84: {  	_ =	shalt  }
0x85: {  	_ =	shalt  }
0x86: {  	_ =	shalt  }
0x87: {  	_ =	shalt  }
.Lfunc_end0:
.L_simem_size_0:
called_computation.1_lowered:
.L_overlay_start_0:
0x88: {  	s2 =	sld [smem:$0x3FD9]  }
0x89: {  	s3 =	sld [smem:$0x3FFE];
	_ =	sdelay $0x1  }
0x8a: {  	s1 =	srdreg.scid  }
0x8b: {  	s0 =	sand.u32 $0x1, s1  }
0x8c: {  	s17 =	sshll.u32 s0, $0xA;
	s2 =	sadd.s32 s3, s2  }
0x8d: {  	s2 =	sadd.s32 s2, s17  }
0x8e: {  	[smem:$0x3FC6] =	sst s2  }
0x8f: {  	_ = 	snop  }
0x90: {  	s2 =	sld [smem:$0x3FD0];
	(tm) =	ssettm $0x1  }
0x91: {  	s18 =	sld [smem:$0x3FFB];
	_ =	sdelay $0x3  }
0x92: {  	_ =	strace s18  }
0x93: {  	s3 =	sld [smem:$0x3FFC];
	_ =	sdelay $0x3  }
0x94: {  	_ =	strace s3  }
0x95: {  	s3 =	sld [smem:$0x3FFD];
	_ =	sdelay $0x3  }
0x96: {  	_ =	strace s3  }
0x97: {  	_ =	strace $0x8FFFFFFF  }
0x98: {  	s19 =	sld [smem:$0x3FDB];
	_ =	sdelay $0x1  }
0x99: {  	s4 =	simm.s32 $_scs_section_size  }
0x9a: {  	s5 =	simm.s32 $_size__tile_overlayer_lowered;
	s6 =	simm.s32 $_tile_overlayer_lowered  }
0x9b: {  	s22 =	simm.s32 $0x1BFF;
	s21 =	sshll.u32 s6, $0x1;
	s3 =	sadd.s32 s4, s19  }
0x9c: {  	s7 =	simm.s32 $0x0;
	s20 =	sshll.u32 s5, $0x1;
	s5 =	sadd.s32 s21, s3  }
0x9d: {  	[timem:s7], [sflag:s22] =	dma.local [hbm:s5], s20  }
0x9e: {  	_ =	swait.ge [sflag:s22], s20  }
0x9f: {  	s4 =	ssub.s32 $0x0, s20;
	[sflag:s22] =	ssyncset.done $0x0  }
0xa0: {  	[sflag:s22] =	ssyncadd.s32 s4;
	_ =	sdelay $0x1  }
0xa1: {  	s23 =	simm.s32 $0x1B8B  }
0xa2: {  	_ =	swait.ge [sflag:s23], $0x1  }
0xa3: {  	[sflag:s23] =	ssyncset.done $0x0  }
0xa4: {  	s25 =	simm.s32 $0x1B8E;
	s24 =	sld [smem:$0x3FFE];
	[sflag:s23] =	ssyncadd.s32 $0xFFFFFFFF  }
0xa5: {  	s26 =	simm.s32 $execute0_lowered;
	[smem:$0x3FD2] =	sst s25  }
0xa6: {  	s5 =	sshll.u32 s26, $0x1;
	_ =	strace $0x80000046;
	[dreg:$0x1] =	wrdreg $0xFFFFFFFF  }
0xa7: {  	s28 =	simm.s32 $_size_execute0_lowered;
	s3 =	sadd.s32 s3, s5;
	[dreg:$0x0] =	wrdreg $0x0  }
0xa8: {  	s5 =	sshll.u32 s28, $0x1;
	[dreg:$0x2] =	wrdreg s3  }
0xa9: {  	[dreg:$0x3] =	wrdreg s5  }
0xaa: {  	[dreg:$0x4] =	wrdreg $0xC0  }
0xab: {  	_ =	task [dreg:s7], $0x5FFFF  }
0xac: {  	[dreg:$0x1] =	wrdreg $0xFFFFFFFF  }
0xad: {  	[dreg:$0x0] =	wrdreg $0x60  }
0xae: {  	[dreg:$0x2] =	wrdreg s24  }
0xaf: {  	[dreg:$0x3] =	wrdreg s2  }
0xb0: {  	[dreg:$0x4] =	wrdreg $0x9  }
0xb1: {  	_ =	task.clear_ibuf [dreg:s7], $0x5FFFF;
	_ =	strace $0x90000046  }
0xb2: {  	s29 =	simm.s32 $0x9;
	_ =	strace $0x80000048  }
0xb3: {  	_ =	swait.ge [sflag:s29], $0x1  }
0xb4: {  	[sflag:s29] =	ssyncadd.s32 $0xFFFFFFFF  }
0xb5: {  	_ =	strace $0x90000048  }
0xb6: {  	_ =	sfence  }
0xb7: {  	s30 =	sld [smem:$0x0];
	_ =	sdelay $0x2  }
0xb8: {  	s31 =	sshll.u32 s1, $0xD;
	s1 =	sshrl.u32 s1, $0x2  }
0xb9: {  	s3 =	sand.u32 $0x4000, s31;
	s1 =	sadd.s32 s1, s30  }
0xba: {  	s0 =	sor.u32 s3, s0;
	s1 =	sshll.u32 s1, $0x11  }
0xbb: {  	s0 =	sor.u32 s1, s0  }
0xbc: {  	s0 =	sadd.s32 $0x8F2B, s0  }
0xbd: {  	[sflag:s0] =	ssyncadd.remote.s32 $0x1  }
0xbe: {  	_ =	sfence.sel $0xFFFF  }
0xbf: {  	[dreg:$0x0] =	wrdreg $0xFFFFFFFF;
	(pc) =	sbr.abs _section_cstart, $3  }
0xc0: {  	[dreg:$0x1] =	wrdreg $0xFFFFFFFF  }
0xc1: {  	_ =	task.clear_ibuf [dreg:s7], $0x2FFFF;
	_ =	strace $0x9FFFFFFF  }
0xc2: {  	(tm) =	ssettm $0x7FFFFFFF  }
0xc3: {  	_ =	shalt  }
tec
execute0_lowered:
.L_overlay_start_1:
0x0: {  	(tag) =	ssettag $0x1  }
0x1: {  	s1 =	srdreg.scid  }
0x2: {  	s0 =	stileid.u32;
	s5 =	rddreg [dreg:$0x0]  }
0x3: {  	s2 =	rddreg [dreg:$0x1];
	s3 =	simm.s32 $0x0;
	s10 =	simm.s32 $0x3200  }
0x4: {  	s11 =	simm.s32 $0x80;
	s6 =	sand.u32 $0x1, s1;
	s31 =	sshll.u32 s0, $0x1  }
0x5: {  	s12 =	simm.s32 $0x4B00;
	s13 =	simm.s32 $0xEB00;
	s4 =	sor.u32 s6, s31  }
0x6: {  	v1 =	vlaneseq.u32;
	s14 =	simm.s32 $0x1;
	s15 =	simm.s32 $0x18B00;
	s7 =	smul.u32 $0x640, s4  }
0x7: {  	s16 =	simm.s32 $0x2;
	s17 =	simm.s32 $0x0;
	v0 =	vmul.u32 $0x12C, v1;
	s4 =	smul.u32 $0x1900, s4  }
.Ltmp0:
0x8: {  	[smem:$0x7FF] =	sst s3;
	v1 =	vmul.u32 $0x280, v1;
	s6 =	ssub.s32 $0x2, s6;
	(pc) =	sbr.rel .LBB2_1-.Ltmp0, $4  }
0x9: {  	s1 =	rddreg [dreg:$0x2];
	_ =	strace $0x80000047;
	s9 =	sshrl.u32 s6, $0x1;
	v2 =	vadd.s32 $0x12C0, v0  }
0xa: {  	v3 =	vadd.s32 $0x2580, v0;
	v4 =	vadd.s32 $0x3840, v0;
	v5 =	vadd.s32 $0x140, v1;
	s9 =	ssub.s32 s6, s9;
	s7 =	sadd.s32 s7, s5;
	s8 =	sshrl.u32 s4, $0x3  }
0xb: {  	v6 =	vadd.s32 $0x2800, v1;
	v7 =	vadd.s32 $0x2940, v1;
	v8 =	vadd.s32 $0x5000, v1;
	s8 =	sadd.s32 s8, s5;
	s5 =	sadd.s32 $0x13800, s5;
	s6 =	sadd.s32 $0x7000, s7  }
0xc: {  	v9 =	vadd.s32 $0x5140, v1;
	v10 =	vadd.s32 $0x7800, v1;
	v11 =	vadd.s32 $0x7940, v1;
	s7 =	sadd.s32 $0xC00, s8;
	s8 =	smax.u32 s9, $0x1;
	s9 =	simm.s32 $0x3  }
.LBB2_10:
0xd: {  	s17 =	sadd.s32 $0x1, s17  }
0xe: {  	p0 =	sne.s32 s17, s8  }
.Ltmp1:
0xf: {  	_ = 	snop;
	(pc) =	sbr.rel @!p0 .LBB2_11-.Ltmp1, $1  }
0x10: {  	_ =	sdelay $0x3  }
.LBB2_1:
0x11: {  	[tilespmem:s3], [sflag:$0x3] =	stream.linear.gather [hbm4b:s6+s3], $0x3200, $0x38;
	[tilespmem:$0x1D610] =	vst v63  }
0x12: {  	_ =	swait.ge [sflag:s9], $0x3200  }
0x13: {  	[sflag:s9] =	ssyncset.done $0x0  }
0x14: {  	[sflag:s9] =	ssyncadd.s32 $0xFFFFCE00  }
0x15: {  	[tilespmem:s10], [sflag:$0x3] =	stream.linear.gather [hbm4b:s7+s3], $0x1900, $0x38;
	[tilespmem:$0x1D610] =	vst v63  }
.Ltmp2:
0x16: {  	_ = 	snop;
	(pc) =	sbr.rel .LBB2_2-.Ltmp2, $4  }
0x17: {  	_ =	swait.ge [sflag:s9], $0x1900  }
0x18: {  	[sflag:s9] =	ssyncset.done $0x0  }
0x19: {  	s18 =	simm.s32 $0x0;
	[sflag:s9] =	ssyncadd.s32 $0xFFFFE700  }
0x1a: {  	[tilespmem:s12], [sflag:$0x1] =	stream.indirect.gather [hbm4b:s5+s11], $0x140, s3, s11, $0xb8;
	[tilespmem:$0x1D610] =	vst v63  }
.LBB2_8:
0x1b: {  	_ =	sdelay $0x2  }
0x1c: {  	v22 =	vsel vm0, v22, v19  }
0x1d: {  	[tilespmem:v15+s15+$0x0] =	vst.idx.msk $0xffff, v20;
	v23 =	vsel vm0, v5, v1;
	v38 =	vand.u32 $0xFFFFFFF8, v22  }
0x1e: {  	v39 =	vor.u32 $0x1, v15;
	v21 =	vld.idx.msk [tilespmem:v21+s13+$0x0], $0xffff;
	v22 =	vand.u32 $0x7, v22;
	v20 =	vadd.s32 v23, v38  }
0x1f: {  	v20 =	vor.u32 v22, v20  }
0x20: {  	v40 =	vadd.s32 $0x1, v19  }
0x21: {  	v41 =	vadd.s32 $0xFFFFFEC1, v19;
	vm9 =	vgt.s32 v40, $0x13F  }
0x22: {  	v19 =	vsel vm9, v41, v40  }
0x23: {  	v43 =	vsel vm9, v5, v1;
	v42 =	vand.u32 $0xFFFFFFF8, v19;
	[tilespmem:v39+s15+$0x0] =	vst.idx.msk $0xffff, v21  }
0x24: {  	v18 =	vadd.s32 $0x2, v18;
	v19 =	vand.u32 $0x7, v19;
	v21 =	vadd.s32 v43, v42;
	v20 =	vld.idx.msk [tilespmem:v20+s13+$0x0], $0xffff  }
0x25: {  	v19 =	vor.u32 v19, v21  }
0x26: {  	v14 =	vadd.s32 $0x2, v14  }
0x27: {  	vm10 =	vgt.s32 v14, $0x13F;
	v44 =	vadd.s32 $0xFFFFFEC0, v14  }
0x28: {  	v21 =	vsel vm10, v44, v14  }
0x29: {  	v46 =	vsel vm10, v7, v6;
	v45 =	vand.u32 $0xFFFFFFF8, v21;
	[tilespmem:v18+s15+$0x0] =	vst.idx.msk $0xffff, v20  }
0x2a: {  	v21 =	vand.u32 $0x7, v21;
	v18 =	vor.u32 $0x1, v18;
	v20 =	vadd.s32 v46, v45;
	v19 =	vld.idx.msk [tilespmem:v19+s13+$0x0], $0xffff  }
0x2b: {  	v20 =	vor.u32 v21, v20  }
0x2c: {  	v47 =	vadd.s32 $0x1, v14  }
0x2d: {  	vm11 =	vgt.s32 v47, $0x13F;
	v14 =	vadd.s32 $0xFFFFFEC1, v14  }
0x2e: {  	v14 =	vsel vm11, v14, v47  }
0x2f: {  	v49 =	vsel vm11, v7, v6;
	v48 =	vand.u32 $0xFFFFFFF8, v14;
	[tilespmem:v18+s15+$0x0] =	vst.idx.msk $0xffff, v19  }
0x30: {  	v17 =	vadd.s32 $0x2, v17;
	v14 =	vand.u32 $0x7, v14;
	v18 =	vadd.s32 v49, v48;
	v20 =	vld.idx.msk [tilespmem:v20+s13+$0x0], $0xffff  }
0x31: {  	v14 =	vor.u32 v14, v18  }
0x32: {  	v13 =	vadd.s32 $0x2, v13  }
0x33: {  	vm12 =	vgt.s32 v13, $0x13F;
	v50 =	vadd.s32 $0xFFFFFEC0, v13  }
0x34: {  	v18 =	vsel vm12, v50, v13  }
0x35: {  	v52 =	vsel vm12, v9, v8;
	v51 =	vand.u32 $0xFFFFFFF8, v18;
	[tilespmem:v17+s15+$0x0] =	vst.idx.msk $0xffff, v20  }
0x36: {  	v18 =	vand.u32 $0x7, v18;
	v19 =	vadd.s32 v52, v51;
	v17 =	vor.u32 $0x1, v17;
	v14 =	vld.idx.msk [tilespmem:v14+s13+$0x0], $0xffff  }
0x37: {  	v18 =	vor.u32 v18, v19  }
0x38: {  	v53 =	vadd.s32 $0x1, v13  }
0x39: {  	vm13 =	vgt.s32 v53, $0x13F;
	v13 =	vadd.s32 $0xFFFFFEC1, v13  }
0x3a: {  	v13 =	vsel vm13, v13, v53  }
0x3b: {  	v55 =	vsel vm13, v9, v8;
	v54 =	vand.u32 $0xFFFFFFF8, v13;
	[tilespmem:v17+s15+$0x0] =	vst.idx.msk $0xffff, v14  }
0x3c: {  	v16 =	vadd.s32 $0x2, v16;
	v13 =	vand.u32 $0x7, v13;
	v14 =	vadd.s32 v55, v54;
	v18 =	vld.idx.msk [tilespmem:v18+s13+$0x0], $0xffff  }
0x3d: {  	v13 =	vor.u32 v13, v14  }
0x3e: {  	v12 =	vadd.s32 $0x2, v12  }
0x3f: {  	vm14 =	vgt.s32 v12, $0x13F;
	v56 =	vadd.s32 $0xFFFFFEC0, v12  }
0x40: {  	v14 =	vsel vm14, v56, v12  }
0x41: {  	v58 =	vsel vm14, v11, v10;
	v57 =	vand.u32 $0xFFFFFFF8, v14;
	[tilespmem:v16+s15+$0x0] =	vst.idx.msk $0xffff, v18  }
0x42: {  	v14 =	vand.u32 $0x7, v14;
	v17 =	vadd.s32 v58, v57;
	v16 =	vor.u32 $0x1, v16;
	v13 =	vld.idx.msk [tilespmem:v13+s13+$0x0], $0xffff  }
0x43: {  	v14 =	vor.u32 v14, v17  }
0x44: {  	v59 =	vadd.s32 $0x1, v12  }
0x45: {  	vm15 =	vgt.s32 v59, $0x13F;
	v12 =	vadd.s32 $0xFFFFFEC1, v12  }
0x46: {  	v12 =	vsel vm15, v12, v59  }
0x47: {  	v61 =	vsel vm15, v11, v10;
	v60 =	vand.u32 $0xFFFFFFF8, v12;
	[tilespmem:v16+s15+$0x0] =	vst.idx.msk $0xffff, v13  }
0x48: {  	v62 =	vadd.s32 $0x2, v15;
	v12 =	vand.u32 $0x7, v12;
	v13 =	vadd.s32 v61, v60;
	v14 =	vld.idx.msk [tilespmem:v14+s13+$0x0], $0xffff  }
0x49: {  	v12 =	vor.u32 v12, v13;
	_ =	sdelay $0x3  }
0x4a: {  	[tilespmem:v62+s15+$0x0] =	vst.idx.msk $0xffff, v14  }
0x4b: {  	v63 =	vor.u32 $0x1, v62;
	v12 =	vld.idx.msk [tilespmem:v12+s13+$0x0], $0xffff;
	_ =	sdelay $0x4  }
0x4c: {  	s20 =	simm.s32 $0x3;
	[tilespmem:v63+s15+$0x0] =	vst.idx.msk $0xffff, v12  }
.LBB2_9:
0x4d: {  	s19 =	sadd.s32 s4, s19  }
0x4e: {  	s19 =	smul.u32 $0x12C, s19  }
0x4f: {  	s18 =	sadd.s32 $0x1, s18  }
0x50: {  	p0 =	sne.s32 s18, $0x64;
	s19 =	sshrl.u32 s19, $0x3  }
.Ltmp3:
0x51: {  	s19 =	sadd.s32 s2, s19;
	(pc) =	sbr.rel @!p0 .LBB2_10-.Ltmp3, $4  }
0x52: {  	[hbm4b:s19+s3] =	stream.linear.scatter [tilespmem:s15], [sflag:s20], $0x4B00, $0x38;
	[tilespmem:$0x1D610] =	vst v63  }
0x53: {  	_ =	swait.ge [sflag:s20], $0x4B00  }
0x54: {  	[sflag:s20] =	ssyncset.done $0x0  }
0x55: {  	[sflag:s20] =	ssyncadd.s32 $0xFFFFB500  }
.LBB2_2:
0x56: {  	s19 =	sand.u32 $0x1, s18  }
0x57: {  	p0 =	seq.s32 s19, $0x1  }
.Ltmp4:
0x58: {  	_ = 	snop;
	(pc) =	sbr.rel @p0 .LBB2_6-.Ltmp4, $1  }
0x59: {  	_ =	sdelay $0x3  }
0x5a: {  	s19 =	sshll.u32 s18, $0x7  }
0x5b: {  	s19 =	sand.u32 $0x3FFFFF80, s19  }
0x5c: {  	s19 =	sadd.s32 $0x80, s19  }
0x5d: {  	[tilespmem:s13], [sflag:$0x2] =	stream.indirect.gather [hbm4b:s5+s11], $0x140, s19, s11, $0xb8;
	[tilespmem:$0x1D610] =	vst v63  }
0x5e: {  	_ =	swait.ge [sflag:s14], $0xA000  }
0x5f: {  	[sflag:s14] =	ssyncset.done $0x0  }
0x60: {  	s19 =	sshll.u32 s18, $0x6;
	[sflag:s14] =	ssyncadd.s32 $0xFFFF6000  }
0x61: {  	v15 =	vld [tilespmem:s19+$0x3200];
	_ =	sdelay $0x4  }
0x62: {  	vm0 =	vgt.s32 v15, $0x13F;
	v12 =	vadd.s32 $0xFFFFFEC0, v15  }
0x63: {  	v12 =	vsel vm0, v12, v15  }
0x64: {  	v14 =	vsel vm0, v5, v1;
	v13 =	vand.u32 $0xFFFFFFF8, v12  }
0x65: {  	v12 =	vand.u32 $0x7, v12;
	v13 =	vadd.s32 v14, v13  }
0x66: {  	v12 =	vor.u32 v12, v13  }
0x67: {  	v13 =	vadd.s32 $0x1, v15  }
0x68: {  	v16 =	vadd.s32 $0xFFFFFEC1, v15;
	vm0 =	vgt.s32 v13, $0x13F  }
0x69: {  	v14 =	vld [tilespmem:s19+$0x3210];
	v13 =	vsel vm0, v16, v13  }
0x6a: {  	v17 =	vsel vm0, v5, v1;
	v16 =	vand.u32 $0xFFFFFFF8, v13  }
0x6b: {  	v18 =	vld.idx.msk [tilespmem:v12+s12+$0x0], $0xffff;
	v12 =	vand.u32 $0x7, v13;
	v13 =	vadd.s32 v17, v16  }
0x6c: {  	v16 =	vor.u32 v12, v13;
	_ =	sdelay $0x1  }
0x6d: {  	vm0 =	vgt.s32 v14, $0x13F;
	v17 =	vadd.s32 $0xFFFFFEC0, v14  }
0x6e: {  	v13 =	vld [tilespmem:s19+$0x3220];
	v17 =	vsel vm0, v17, v14  }
0x6f: {  	v19 =	vsel vm0, v7, v6;
	v12 =	vld [tilespmem:s19+$0x3230];
	[tilespmem:v0+s15+$0x0] =	vst.idx.msk $0xffff, v18;
	v18 =	vand.u32 $0xFFFFFFF8, v17  }
0x70: {  	v20 =	vor.u32 $0x1, v0;
	v17 =	vand.u32 $0x7, v17;
	v16 =	vld.idx.msk [tilespmem:v16+s12+$0x0], $0xffff;
	v18 =	vadd.s32 v19, v18  }
0x71: {  	v17 =	vor.u32 v17, v18  }
0x72: {  	v18 =	vadd.s32 $0x1, v14  }
0x73: {  	v19 =	vadd.s32 $0xFFFFFEC1, v14;
	vm0 =	vgt.s32 v18, $0x13F  }
0x74: {  	v18 =	vsel vm0, v19, v18  }
0x75: {  	v19 =	vsel vm0, v7, v6;
	[tilespmem:v20+s15+$0x0] =	vst.idx.msk $0xffff, v16;
	v16 =	vand.u32 $0xFFFFFFF8, v18  }
0x76: {  	v18 =	vand.u32 $0x7, v18;
	v17 =	vld.idx.msk [tilespmem:v17+s12+$0x0], $0xffff;
	v16 =	vadd.s32 v19, v16  }
0x77: {  	v16 =	vor.u32 v18, v16;
	_ =	sdelay $0x1  }
0x78: {  	vm0 =	vgt.s32 v13, $0x13F;
	v18 =	vadd.s32 $0xFFFFFEC0, v13  }
0x79: {  	v18 =	vsel vm0, v18, v13  }
0x7a: {  	v19 =	vsel vm0, v9, v8;
	[tilespmem:v2+s15+$0x0] =	vst.idx.msk $0xffff, v17;
	v17 =	vand.u32 $0xFFFFFFF8, v18  }
0x7b: {  	v20 =	vor.u32 $0x1, v2;
	v18 =	vand.u32 $0x7, v18;
	v16 =	vld.idx.msk [tilespmem:v16+s12+$0x0], $0xffff;
	v17 =	vadd.s32 v19, v17  }
0x7c: {  	v17 =	vor.u32 v18, v17  }
0x7d: {  	v18 =	vadd.s32 $0x1, v13  }
0x7e: {  	v19 =	vadd.s32 $0xFFFFFEC1, v13;
	vm0 =	vgt.s32 v18, $0x13F  }
0x7f: {  	v18 =	vsel vm0, v19, v18  }
0x80: {  	v19 =	vsel vm0, v9, v8;
	[tilespmem:v20+s15+$0x0] =	vst.idx.msk $0xffff, v16;
	v16 =	vand.u32 $0xFFFFFFF8, v18  }
0x81: {  	v18 =	vand.u32 $0x7, v18;
	v17 =	vld.idx.msk [tilespmem:v17+s12+$0x0], $0xffff;
	v16 =	vadd.s32 v19, v16  }
0x82: {  	v16 =	vor.u32 v18, v16;
	_ =	sdelay $0x1  }
0x83: {  	vm0 =	vgt.s32 v12, $0x13F;
	v18 =	vadd.s32 $0xFFFFFEC0, v12  }
0x84: {  	v18 =	vsel vm0, v18, v12  }
0x85: {  	v19 =	vsel vm0, v11, v10;
	[tilespmem:v3+s15+$0x0] =	vst.idx.msk $0xffff, v17;
	v17 =	vand.u32 $0xFFFFFFF8, v18  }
0x86: {  	v20 =	vor.u32 $0x1, v3;
	v18 =	vand.u32 $0x7, v18;
	v16 =	vld.idx.msk [tilespmem:v16+s12+$0x0], $0xffff;
	v17 =	vadd.s32 v19, v17  }
0x87: {  	v17 =	vor.u32 v18, v17  }
0x88: {  	v18 =	vadd.s32 $0x1, v12  }
0x89: {  	v19 =	vadd.s32 $0xFFFFFEC1, v12;
	vm0 =	vgt.s32 v18, $0x13F  }
0x8a: {  	v18 =	vsel vm0, v19, v18  }
0x8b: {  	v21 =	vsel vm0, v11, v10;
	v19 =	vand.u32 $0xFFFFFFF8, v18;
	[tilespmem:v20+s15+$0x0] =	vst.idx.msk $0xffff, v16  }
0x8c: {  	v16 =	vand.u32 $0x7, v18;
	v18 =	vadd.s32 v21, v19;
	v19 =	vadd.s32 $0x2, v15;
	v15 =	vmovc v4;
	v20 =	vld.idx.msk [tilespmem:v17+s12+$0x0], $0xffff  }
0x8d: {  	v21 =	vor.u32 v16, v18;
	_ =	sdelay $0x2  }
0x8e: {  	s20 =	simm.s32 $0x94;
	vm0 =	vgt.s32 v19, $0x13F;
	v22 =	vadd.s32 $0xFFFFFEC0, v19;
	v17 =	vmovc v2;
	v18 =	vmovc v0;
	v16 =	vmov v3  }
.LBB2_4:
0x8f: {  	p0 =	sne.s32 s20, $0x1;
	v22 =	vsel vm0, v22, v19;
	[tilespmem:v15+s15+$0x0] =	vst.idx.msk $0xffff, v20  }
0x90: {  	v23 =	vsel vm0, v5, v1;
	v20 =	vand.u32 $0xFFFFFFF8, v22;
	v21 =	vld.idx.msk [tilespmem:v21+s12+$0x0], $0xffff  }
0x91: {  	v22 =	vand.u32 $0x7, v22;
	v20 =	vadd.s32 v23, v20;
	v23 =	vor.u32 $0x1, v15  }
0x92: {  	v20 =	vor.u32 v22, v20;
	_ =	sdelay $0x1  }
0x93: {  	v22 =	vadd.s32 $0x1, v19  }
0x94: {  	v24 =	vadd.s32 $0xFFFFFEC1, v19;
	vm0 =	vgt.s32 v22, $0x13F  }
0x95: {  	v22 =	vsel vm0, v24, v22;
	[tilespmem:v23+s15+$0x0] =	vst.idx.msk $0xffff, v21  }
0x96: {  	v21 =	vand.u32 $0xFFFFFFF8, v22;
	v23 =	vsel vm0, v5, v1;
	v20 =	vld.idx.msk [tilespmem:v20+s12+$0x0], $0xffff  }
0x97: {  	v18 =	vadd.s32 $0x2, v18;
	v22 =	vand.u32 $0x7, v22;
	v21 =	vadd.s32 v23, v21  }
0x98: {  	v21 =	vor.u32 v22, v21;
	_ =	sdelay $0x1  }
0x99: {  	v14 =	vadd.s32 $0x2, v14  }
0x9a: {  	vm0 =	vgt.s32 v14, $0x13F;
	v22 =	vadd.s32 $0xFFFFFEC0, v14  }
0x9b: {  	[tilespmem:v18+s15+$0x0] =	vst.idx.msk $0xffff, v20;
	v20 =	vsel vm0, v22, v14  }
0x9c: {  	v23 =	vsel vm0, v7, v6;
	v21 =	vld.idx.msk [tilespmem:v21+s12+$0x0], $0xffff;
	v22 =	vand.u32 $0xFFFFFFF8, v20  }
0x9d: {  	v24 =	vor.u32 $0x1, v18;
	v20 =	vand.u32 $0x7, v20;
	v22 =	vadd.s32 v23, v22  }
0x9e: {  	v20 =	vor.u32 v20, v22;
	_ =	sdelay $0x1  }
0x9f: {  	v22 =	vadd.s32 $0x1, v14  }
0xa0: {  	v23 =	vadd.s32 $0xFFFFFEC1, v14;
	vm0 =	vgt.s32 v22, $0x13F  }
0xa1: {  	[tilespmem:v24+s15+$0x0] =	vst.idx.msk $0xffff, v21;
	v21 =	vsel vm0, v23, v22  }
0xa2: {  	v23 =	vsel vm0, v7, v6;
	v20 =	vld.idx.msk [tilespmem:v20+s12+$0x0], $0xffff;
	v22 =	vand.u32 $0xFFFFFFF8, v21  }
0xa3: {  	v17 =	vadd.s32 $0x2, v17;
	v21 =	vand.u32 $0x7, v21;
	v22 =	vadd.s32 v23, v22  }
0xa4: {  	v21 =	vor.u32 v21, v22;
	_ =	sdelay $0x1  }
0xa5: {  	v13 =	vadd.s32 $0x2, v13  }
0xa6: {  	vm0 =	vgt.s32 v13, $0x13F;
	v22 =	vadd.s32 $0xFFFFFEC0, v13  }
0xa7: {  	[tilespmem:v17+s15+$0x0] =	vst.idx.msk $0xffff, v20;
	v20 =	vsel vm0, v22, v13  }
0xa8: {  	v23 =	vsel vm0, v9, v8;
	v21 =	vld.idx.msk [tilespmem:v21+s12+$0x0], $0xffff;
	v22 =	vand.u32 $0xFFFFFFF8, v20  }
0xa9: {  	v24 =	vor.u32 $0x1, v17;
	v20 =	vand.u32 $0x7, v20;
	v22 =	vadd.s32 v23, v22  }
0xaa: {  	v20 =	vor.u32 v20, v22;
	_ =	sdelay $0x1  }
0xab: {  	v22 =	vadd.s32 $0x1, v13  }
0xac: {  	v23 =	vadd.s32 $0xFFFFFEC1, v13;
	vm0 =	vgt.s32 v22, $0x13F  }
0xad: {  	[tilespmem:v24+s15+$0x0] =	vst.idx.msk $0xffff, v21;
	v21 =	vsel vm0, v23, v22  }
0xae: {  	v23 =	vsel vm0, v9, v8;
	v20 =	vld.idx.msk [tilespmem:v20+s12+$0x0], $0xffff;
	v22 =	vand.u32 $0xFFFFFFF8, v21  }
0xaf: {  	v16 =	vadd.s32 $0x2, v16;
	v21 =	vand.u32 $0x7, v21;
	v22 =	vadd.s32 v23, v22  }
0xb0: {  	v21 =	vor.u32 v21, v22;
	_ =	sdelay $0x1  }
0xb1: {  	v12 =	vadd.s32 $0x2, v12  }
0xb2: {  	vm0 =	vgt.s32 v12, $0x13F;
	v22 =	vadd.s32 $0xFFFFFEC0, v12  }
0xb3: {  	[tilespmem:v16+s15+$0x0] =	vst.idx.msk $0xffff, v20;
	v20 =	vsel vm0, v22, v12  }
0xb4: {  	v23 =	vsel vm0, v11, v10;
	v21 =	vld.idx.msk [tilespmem:v21+s12+$0x0], $0xffff;
	v22 =	vand.u32 $0xFFFFFFF8, v20  }
0xb5: {  	v24 =	vor.u32 $0x1, v16;
	v20 =	vand.u32 $0x7, v20;
	v22 =	vadd.s32 v23, v22  }
0xb6: {  	v20 =	vor.u32 v20, v22;
	_ =	sdelay $0x1  }
0xb7: {  	v22 =	vadd.s32 $0x1, v12  }
0xb8: {  	v23 =	vadd.s32 $0xFFFFFEC1, v12;
	vm0 =	vgt.s32 v22, $0x13F  }
0xb9: {  	[tilespmem:v24+s15+$0x0] =	vst.idx.msk $0xffff, v21;
	v21 =	vsel vm0, v23, v22  }
0xba: {  	v23 =	vsel vm0, v11, v10;
	v20 =	vld.idx.msk [tilespmem:v20+s12+$0x0], $0xffff;
	v22 =	vand.u32 $0xFFFFFFF8, v21  }
.Ltmp5:
0xbb: {  	v15 =	vadd.s32 $0x2, v15;
	v21 =	vand.u32 $0x7, v21;
	v22 =	vadd.s32 v23, v22;
	(pc) =	sbr.rel @p0 .LBB2_4-.Ltmp5, $3  }
0xbc: {  	v21 =	vor.u32 v21, v22;
	_ =	sdelay $0x1  }
0xbd: {  	v19 =	vadd.s32 $0x2, v19  }
0xbe: {  	s20 =	sadd.s32 $0xFFFFFFFF, s20;
	vm0 =	vgt.s32 v19, $0x13F;
	v22 =	vadd.s32 $0xFFFFFEC0, v19  }
0xbf: {  	_ =	sdelay $0x2  }
0xc0: {  	v22 =	vsel vm0, v22, v19  }
0xc1: {  	[tilespmem:v15+s15+$0x0] =	vst.idx.msk $0xffff, v20;
	v23 =	vsel vm0, v5, v1;
	v38 =	vand.u32 $0xFFFFFFF8, v22  }
0xc2: {  	v39 =	vor.u32 $0x1, v15;
	v21 =	vld.idx.msk [tilespmem:v21+s12+$0x0], $0xffff;
	v22 =	vand.u32 $0x7, v22;
	v20 =	vadd.s32 v23, v38  }
0xc3: {  	v20 =	vor.u32 v22, v20  }
0xc4: {  	v40 =	vadd.s32 $0x1, v19  }
0xc5: {  	v41 =	vadd.s32 $0xFFFFFEC1, v19;
	vm9 =	vgt.s32 v40, $0x13F  }
0xc6: {  	v19 =	vsel vm9, v41, v40  }
0xc7: {  	v43 =	vsel vm9, v5, v1;
	v42 =	vand.u32 $0xFFFFFFF8, v19;
	[tilespmem:v39+s15+$0x0] =	vst.idx.msk $0xffff, v21  }
0xc8: {  	v18 =	vadd.s32 $0x2, v18;
	v19 =	vand.u32 $0x7, v19;
	v21 =	vadd.s32 v43, v42;
	v20 =	vld.idx.msk [tilespmem:v20+s12+$0x0], $0xffff  }
0xc9: {  	v19 =	vor.u32 v19, v21  }
0xca: {  	v14 =	vadd.s32 $0x2, v14  }
0xcb: {  	vm10 =	vgt.s32 v14, $0x13F;
	v44 =	vadd.s32 $0xFFFFFEC0, v14  }
0xcc: {  	v21 =	vsel vm10, v44, v14  }
0xcd: {  	v46 =	vsel vm10, v7, v6;
	v45 =	vand.u32 $0xFFFFFFF8, v21;
	[tilespmem:v18+s15+$0x0] =	vst.idx.msk $0xffff, v20  }
0xce: {  	v21 =	vand.u32 $0x7, v21;
	v18 =	vor.u32 $0x1, v18;
	v20 =	vadd.s32 v46, v45;
	v19 =	vld.idx.msk [tilespmem:v19+s12+$0x0], $0xffff  }
0xcf: {  	v20 =	vor.u32 v21, v20  }
0xd0: {  	v47 =	vadd.s32 $0x1, v14  }
0xd1: {  	vm11 =	vgt.s32 v47, $0x13F;
	v14 =	vadd.s32 $0xFFFFFEC1, v14  }
0xd2: {  	v14 =	vsel vm11, v14, v47  }
0xd3: {  	v49 =	vsel vm11, v7, v6;
	v48 =	vand.u32 $0xFFFFFFF8, v14;
	[tilespmem:v18+s15+$0x0] =	vst.idx.msk $0xffff, v19  }
0xd4: {  	v17 =	vadd.s32 $0x2, v17;
	v14 =	vand.u32 $0x7, v14;
	v18 =	vadd.s32 v49, v48;
	v20 =	vld.idx.msk [tilespmem:v20+s12+$0x0], $0xffff  }
0xd5: {  	v14 =	vor.u32 v14, v18  }
0xd6: {  	v13 =	vadd.s32 $0x2, v13  }
0xd7: {  	vm12 =	vgt.s32 v13, $0x13F;
	v50 =	vadd.s32 $0xFFFFFEC0, v13  }
0xd8: {  	v18 =	vsel vm12, v50, v13  }
0xd9: {  	v52 =	vsel vm12, v9, v8;
	v51 =	vand.u32 $0xFFFFFFF8, v18;
	[tilespmem:v17+s15+$0x0] =	vst.idx.msk $0xffff, v20  }
0xda: {  	v18 =	vand.u32 $0x7, v18;
	v19 =	vadd.s32 v52, v51;
	v17 =	vor.u32 $0x1, v17;
	v14 =	vld.idx.msk [tilespmem:v14+s12+$0x0], $0xffff  }
0xdb: {  	v18 =	vor.u32 v18, v19  }
0xdc: {  	v53 =	vadd.s32 $0x1, v13  }
0xdd: {  	vm13 =	vgt.s32 v53, $0x13F;
	v13 =	vadd.s32 $0xFFFFFEC1, v13  }
0xde: {  	v13 =	vsel vm13, v13, v53  }
0xdf: {  	v55 =	vsel vm13, v9, v8;
	v54 =	vand.u32 $0xFFFFFFF8, v13;
	[tilespmem:v17+s15+$0x0] =	vst.idx.msk $0xffff, v14  }
0xe0: {  	v16 =	vadd.s32 $0x2, v16;
	v13 =	vand.u32 $0x7, v13;
	v14 =	vadd.s32 v55, v54;
	v18 =	vld.idx.msk [tilespmem:v18+s12+$0x0], $0xffff  }
0xe1: {  	v13 =	vor.u32 v13, v14  }
0xe2: {  	v12 =	vadd.s32 $0x2, v12  }
0xe3: {  	vm14 =	vgt.s32 v12, $0x13F;
	v56 =	vadd.s32 $0xFFFFFEC0, v12  }
0xe4: {  	v14 =	vsel vm14, v56, v12  }
0xe5: {  	v58 =	vsel vm14, v11, v10;
	v57 =	vand.u32 $0xFFFFFFF8, v14;
	[tilespmem:v16+s15+$0x0] =	vst.idx.msk $0xffff, v18  }
0xe6: {  	v14 =	vand.u32 $0x7, v14;
	v17 =	vadd.s32 v58, v57;
	v16 =	vor.u32 $0x1, v16;
	v13 =	vld.idx.msk [tilespmem:v13+s12+$0x0], $0xffff  }
0xe7: {  	v14 =	vor.u32 v14, v17  }
0xe8: {  	v59 =	vadd.s32 $0x1, v12  }
0xe9: {  	vm15 =	vgt.s32 v59, $0x13F;
	v12 =	vadd.s32 $0xFFFFFEC1, v12  }
0xea: {  	v12 =	vsel vm15, v12, v59  }
0xeb: {  	v61 =	vsel vm15, v11, v10;
	v60 =	vand.u32 $0xFFFFFFF8, v12;
	[tilespmem:v16+s15+$0x0] =	vst.idx.msk $0xffff, v13  }
0xec: {  	v62 =	vadd.s32 $0x2, v15;
	v12 =	vand.u32 $0x7, v12;
	v13 =	vadd.s32 v61, v60;
	v14 =	vld.idx.msk [tilespmem:v14+s12+$0x0], $0xffff  }
0xed: {  	v12 =	vor.u32 v12, v13;
	_ =	sdelay $0x3  }
0xee: {  	[tilespmem:v62+s15+$0x0] =	vst.idx.msk $0xffff, v14  }
0xef: {  	v63 =	vor.u32 $0x1, v62;
	v12 =	vld.idx.msk [tilespmem:v12+s12+$0x0], $0xffff  }
.Ltmp6:
0xf0: {  	_ = 	snop;
	(pc) =	sbr.rel .LBB2_9-.Ltmp6, $2  }
0xf1: {  	_ =	sdelay $0x2  }
0xf2: {  	s20 =	simm.s32 $0x4;
	[tilespmem:v63+s15+$0x0] =	vst.idx.msk $0xffff, v12  }
.LBB2_6:
0xf3: {  	p0 =	seq.s32 s18, $0x63  }
0xf4: {  	s19 =	sshll.u32 @!p0 s18, $0x7  }
0xf5: {  	s19 =	sand.u32 @!p0 $0x3FFFFF80, s19  }
0xf6: {  	s20 =	simm.s32 @!p0 $0x80;
	s21 =	simm.s32 @!p0 $0x4B00;
	s19 =	sadd.s32 @!p0 $0x80, s19  }
0xf7: {  	[tilespmem:s21], [sflag:$0x1] =	stream.indirect.gather @!p0 [hbm4b:s5+s20], $0x140, s19, s20, $0xb8;
	[tilespmem:$0x1D610] =	vst v63  }
0xf8: {  	_ =	swait.ge [sflag:s16], $0xA000  }
0xf9: {  	[sflag:s16] =	ssyncset.done $0x0  }
0xfa: {  	s19 =	sshll.u32 s18, $0x6;
	[sflag:s16] =	ssyncadd.s32 $0xFFFF6000  }
0xfb: {  	v15 =	vld [tilespmem:s19+$0x3200];
	_ =	sdelay $0x4  }
0xfc: {  	vm0 =	vgt.s32 v15, $0x13F;
	v12 =	vadd.s32 $0xFFFFFEC0, v15  }
0xfd: {  	v12 =	vsel vm0, v12, v15  }
0xfe: {  	v14 =	vsel vm0, v5, v1;
	v13 =	vand.u32 $0xFFFFFFF8, v12  }
0xff: {  	v12 =	vand.u32 $0x7, v12;
	v13 =	vadd.s32 v14, v13  }
0x100: {  	v12 =	vor.u32 v12, v13  }
0x101: {  	v13 =	vadd.s32 $0x1, v15  }
0x102: {  	v16 =	vadd.s32 $0xFFFFFEC1, v15;
	vm0 =	vgt.s32 v13, $0x13F  }
0x103: {  	v14 =	vld [tilespmem:s19+$0x3210];
	v13 =	vsel vm0, v16, v13  }
0x104: {  	v17 =	vsel vm0, v5, v1;
	v16 =	vand.u32 $0xFFFFFFF8, v13  }
0x105: {  	v18 =	vld.idx.msk [tilespmem:v12+s13+$0x0], $0xffff;
	v12 =	vand.u32 $0x7, v13;
	v13 =	vadd.s32 v17, v16  }
0x106: {  	v16 =	vor.u32 v12, v13;
	_ =	sdelay $0x1  }
0x107: {  	vm0 =	vgt.s32 v14, $0x13F;
	v17 =	vadd.s32 $0xFFFFFEC0, v14  }
0x108: {  	v13 =	vld [tilespmem:s19+$0x3220];
	v17 =	vsel vm0, v17, v14  }
0x109: {  	v19 =	vsel vm0, v7, v6;
	v12 =	vld [tilespmem:s19+$0x3230];
	[tilespmem:v0+s15+$0x0] =	vst.idx.msk $0xffff, v18;
	v18 =	vand.u32 $0xFFFFFFF8, v17  }
0x10a: {  	v20 =	vor.u32 $0x1, v0;
	v17 =	vand.u32 $0x7, v17;
	v16 =	vld.idx.msk [tilespmem:v16+s13+$0x0], $0xffff;
	v18 =	vadd.s32 v19, v18  }
0x10b: {  	v17 =	vor.u32 v17, v18  }
0x10c: {  	v18 =	vadd.s32 $0x1, v14  }
0x10d: {  	v19 =	vadd.s32 $0xFFFFFEC1, v14;
	vm0 =	vgt.s32 v18, $0x13F  }
0x10e: {  	v18 =	vsel vm0, v19, v18  }
0x10f: {  	v19 =	vsel vm0, v7, v6;
	[tilespmem:v20+s15+$0x0] =	vst.idx.msk $0xffff, v16;
	v16 =	vand.u32 $0xFFFFFFF8, v18  }
0x110: {  	v18 =	vand.u32 $0x7, v18;
	v17 =	vld.idx.msk [tilespmem:v17+s13+$0x0], $0xffff;
	v16 =	vadd.s32 v19, v16  }
0x111: {  	v16 =	vor.u32 v18, v16;
	_ =	sdelay $0x1  }
0x112: {  	vm0 =	vgt.s32 v13, $0x13F;
	v18 =	vadd.s32 $0xFFFFFEC0, v13  }
0x113: {  	v18 =	vsel vm0, v18, v13  }
0x114: {  	v19 =	vsel vm0, v9, v8;
	[tilespmem:v2+s15+$0x0] =	vst.idx.msk $0xffff, v17;
	v17 =	vand.u32 $0xFFFFFFF8, v18  }
0x115: {  	v20 =	vor.u32 $0x1, v2;
	v18 =	vand.u32 $0x7, v18;
	v16 =	vld.idx.msk [tilespmem:v16+s13+$0x0], $0xffff;
	v17 =	vadd.s32 v19, v17  }
0x116: {  	v17 =	vor.u32 v18, v17  }
0x117: {  	v18 =	vadd.s32 $0x1, v13  }
0x118: {  	v19 =	vadd.s32 $0xFFFFFEC1, v13;
	vm0 =	vgt.s32 v18, $0x13F  }
0x119: {  	v18 =	vsel vm0, v19, v18  }
0x11a: {  	v19 =	vsel vm0, v9, v8;
	[tilespmem:v20+s15+$0x0] =	vst.idx.msk $0xffff, v16;
	v16 =	vand.u32 $0xFFFFFFF8, v18  }
0x11b: {  	v18 =	vand.u32 $0x7, v18;
	v17 =	vld.idx.msk [tilespmem:v17+s13+$0x0], $0xffff;
	v16 =	vadd.s32 v19, v16  }
0x11c: {  	v16 =	vor.u32 v18, v16;
	_ =	sdelay $0x1  }
0x11d: {  	vm0 =	vgt.s32 v12, $0x13F;
	v18 =	vadd.s32 $0xFFFFFEC0, v12  }
0x11e: {  	v18 =	vsel vm0, v18, v12  }
0x11f: {  	v19 =	vsel vm0, v11, v10;
	[tilespmem:v3+s15+$0x0] =	vst.idx.msk $0xffff, v17;
	v17 =	vand.u32 $0xFFFFFFF8, v18  }
0x120: {  	v20 =	vor.u32 $0x1, v3;
	v18 =	vand.u32 $0x7, v18;
	v16 =	vld.idx.msk [tilespmem:v16+s13+$0x0], $0xffff;
	v17 =	vadd.s32 v19, v17  }
0x121: {  	v17 =	vor.u32 v18, v17  }
0x122: {  	v18 =	vadd.s32 $0x1, v12  }
0x123: {  	v19 =	vadd.s32 $0xFFFFFEC1, v12;
	vm0 =	vgt.s32 v18, $0x13F  }
0x124: {  	v18 =	vsel vm0, v19, v18  }
0x125: {  	v21 =	vsel vm0, v11, v10;
	v19 =	vand.u32 $0xFFFFFFF8, v18;
	[tilespmem:v20+s15+$0x0] =	vst.idx.msk $0xffff, v16  }
0x126: {  	v16 =	vand.u32 $0x7, v18;
	v18 =	vadd.s32 v21, v19;
	v19 =	vadd.s32 $0x2, v15;
	v15 =	vmovc v4;
	v20 =	vld.idx.msk [tilespmem:v17+s13+$0x0], $0xffff  }
0x127: {  	v21 =	vor.u32 v16, v18;
	_ =	sdelay $0x2  }
0x128: {  	s20 =	simm.s32 $0x94;
	vm0 =	vgt.s32 v19, $0x13F;
	v22 =	vadd.s32 $0xFFFFFEC0, v19;
	v17 =	vmovc v2;
	v18 =	vmovc v0;
	v16 =	vmov v3  }
.LBB2_7:
0x129: {  	p0 =	sne.s32 s20, $0x1;
	v22 =	vsel vm0, v22, v19;
	[tilespmem:v15+s15+$0x0] =	vst.idx.msk $0xffff, v20  }
0x12a: {  	v23 =	vsel vm0, v5, v1;
	v20 =	vand.u32 $0xFFFFFFF8, v22;
	v21 =	vld.idx.msk [tilespmem:v21+s13+$0x0], $0xffff  }
0x12b: {  	v22 =	vand.u32 $0x7, v22;
	v20 =	vadd.s32 v23, v20;
	v23 =	vor.u32 $0x1, v15  }
0x12c: {  	v20 =	vor.u32 v22, v20;
	_ =	sdelay $0x1  }
0x12d: {  	v22 =	vadd.s32 $0x1, v19  }
0x12e: {  	v24 =	vadd.s32 $0xFFFFFEC1, v19;
	vm0 =	vgt.s32 v22, $0x13F  }
0x12f: {  	v22 =	vsel vm0, v24, v22;
	[tilespmem:v23+s15+$0x0] =	vst.idx.msk $0xffff, v21  }
0x130: {  	v21 =	vand.u32 $0xFFFFFFF8, v22;
	v23 =	vsel vm0, v5, v1;
	v20 =	vld.idx.msk [tilespmem:v20+s13+$0x0], $0xffff  }
0x131: {  	v18 =	vadd.s32 $0x2, v18;
	v22 =	vand.u32 $0x7, v22;
	v21 =	vadd.s32 v23, v21  }
0x132: {  	v21 =	vor.u32 v22, v21;
	_ =	sdelay $0x1  }
0x133: {  	v14 =	vadd.s32 $0x2, v14  }
0x134: {  	vm0 =	vgt.s32 v14, $0x13F;
	v22 =	vadd.s32 $0xFFFFFEC0, v14  }
0x135: {  	[tilespmem:v18+s15+$0x0] =	vst.idx.msk $0xffff, v20;
	v20 =	vsel vm0, v22, v14  }
0x136: {  	v23 =	vsel vm0, v7, v6;
	v21 =	vld.idx.msk [tilespmem:v21+s13+$0x0], $0xffff;
	v22 =	vand.u32 $0xFFFFFFF8, v20  }
0x137: {  	v24 =	vor.u32 $0x1, v18;
	v20 =	vand.u32 $0x7, v20;
	v22 =	vadd.s32 v23, v22  }
0x138: {  	v20 =	vor.u32 v20, v22;
	_ =	sdelay $0x1  }
0x139: {  	v22 =	vadd.s32 $0x1, v14  }
0x13a: {  	v23 =	vadd.s32 $0xFFFFFEC1, v14;
	vm0 =	vgt.s32 v22, $0x13F  }
0x13b: {  	[tilespmem:v24+s15+$0x0] =	vst.idx.msk $0xffff, v21;
	v21 =	vsel vm0, v23, v22  }
0x13c: {  	v23 =	vsel vm0, v7, v6;
	v20 =	vld.idx.msk [tilespmem:v20+s13+$0x0], $0xffff;
	v22 =	vand.u32 $0xFFFFFFF8, v21  }
0x13d: {  	v17 =	vadd.s32 $0x2, v17;
	v21 =	vand.u32 $0x7, v21;
	v22 =	vadd.s32 v23, v22  }
0x13e: {  	v21 =	vor.u32 v21, v22;
	_ =	sdelay $0x1  }
0x13f: {  	v13 =	vadd.s32 $0x2, v13  }
0x140: {  	vm0 =	vgt.s32 v13, $0x13F;
	v22 =	vadd.s32 $0xFFFFFEC0, v13  }
0x141: {  	[tilespmem:v17+s15+$0x0] =	vst.idx.msk $0xffff, v20;
	v20 =	vsel vm0, v22, v13  }
0x142: {  	v23 =	vsel vm0, v9, v8;
	v21 =	vld.idx.msk [tilespmem:v21+s13+$0x0], $0xffff;
	v22 =	vand.u32 $0xFFFFFFF8, v20  }
0x143: {  	v24 =	vor.u32 $0x1, v17;
	v20 =	vand.u32 $0x7, v20;
	v22 =	vadd.s32 v23, v22  }
0x144: {  	v20 =	vor.u32 v20, v22;
	_ =	sdelay $0x1  }
0x145: {  	v22 =	vadd.s32 $0x1, v13  }
0x146: {  	v23 =	vadd.s32 $0xFFFFFEC1, v13;
	vm0 =	vgt.s32 v22, $0x13F  }
0x147: {  	[tilespmem:v24+s15+$0x0] =	vst.idx.msk $0xffff, v21;
	v21 =	vsel vm0, v23, v22  }
0x148: {  	v23 =	vsel vm0, v9, v8;
	v20 =	vld.idx.msk [tilespmem:v20+s13+$0x0], $0xffff;
	v22 =	vand.u32 $0xFFFFFFF8, v21  }
0x149: {  	v16 =	vadd.s32 $0x2, v16;
	v21 =	vand.u32 $0x7, v21;
	v22 =	vadd.s32 v23, v22  }
0x14a: {  	v21 =	vor.u32 v21, v22;
	_ =	sdelay $0x1  }
0x14b: {  	v12 =	vadd.s32 $0x2, v12  }
0x14c: {  	vm0 =	vgt.s32 v12, $0x13F;
	v22 =	vadd.s32 $0xFFFFFEC0, v12  }
0x14d: {  	[tilespmem:v16+s15+$0x0] =	vst.idx.msk $0xffff, v20;
	v20 =	vsel vm0, v22, v12  }
0x14e: {  	v23 =	vsel vm0, v11, v10;
	v21 =	vld.idx.msk [tilespmem:v21+s13+$0x0], $0xffff;
	v22 =	vand.u32 $0xFFFFFFF8, v20  }
0x14f: {  	v24 =	vor.u32 $0x1, v16;
	v20 =	vand.u32 $0x7, v20;
	v22 =	vadd.s32 v23, v22  }
0x150: {  	v20 =	vor.u32 v20, v22;
	_ =	sdelay $0x1  }
0x151: {  	v22 =	vadd.s32 $0x1, v12  }
0x152: {  	v23 =	vadd.s32 $0xFFFFFEC1, v12;
	vm0 =	vgt.s32 v22, $0x13F  }
0x153: {  	[tilespmem:v24+s15+$0x0] =	vst.idx.msk $0xffff, v21;
	v21 =	vsel vm0, v23, v22  }
0x154: {  	v23 =	vsel vm0, v11, v10;
	v20 =	vld.idx.msk [tilespmem:v20+s13+$0x0], $0xffff;
	v22 =	vand.u32 $0xFFFFFFF8, v21  }
.Ltmp7:
0x155: {  	v15 =	vadd.s32 $0x2, v15;
	v21 =	vand.u32 $0x7, v21;
	v22 =	vadd.s32 v23, v22;
	(pc) =	sbr.rel @p0 .LBB2_7-.Ltmp7, $3  }
0x156: {  	v21 =	vor.u32 v21, v22;
	_ =	sdelay $0x1  }
0x157: {  	v19 =	vadd.s32 $0x2, v19  }
0x158: {  	s20 =	sadd.s32 $0xFFFFFFFF, s20;
	vm0 =	vgt.s32 v19, $0x13F;
	v22 =	vadd.s32 $0xFFFFFEC0, v19  }
.Ltmp8:
0x159: {  	_ = 	snop;
	(pc) =	sbr.rel .LBB2_8-.Ltmp8, $1  }
0x15a: {  	_ =	sdelay $0x3  }
.LBB2_11:
0x15b: {  	_ =	sfence.sel $0x180000  }
0x15c: {  	[bflag:$0x0] =	sbarrier.arrive $0xFFFF  }
0x15d: {  	p0 =	sne.s32 s0, $0x0;
	_ =	strace $0x90000047  }
0x15e: {  	s0 =	sadd.s32 @!p0 $0x100000, s1;
	[bflag:$0x2] =	sbarrier.arrive $0xFFFF  }
0x15f: {  	[sflag:s0] =	ssyncadd.tile.s32 @!p0 $0x1;
	_ =	shalt  }
.Lfunc_end2:
_tile_overlayer_lowered:
.L_overlay_start_2:
0x160: {  	(tag) =	ssettag $0x2  }
0x161: {  	s0 =	rddreg [dreg:$0x0];
	s2 =	stileid.u32  }
0x162: {  	s1 =	rddreg [dreg:$0x1];
	p0 =	sne.s32 s2, $0x0  }
0x163: {  	s3 =	rddreg [dreg:$0x2];
	[bflag:$0x3] =	sbarrier.arrive $0xFFFF;
	s2 =	simm.s32 @!p0 $0x1C03  }
0x164: {  	[timem:s3], [sflag:s2] =	dma.local @!p0 [hbm:s0], s1  }
0x165: {  	s0 =	simm.s32 @!p0 $0x3  }
0x166: {  	_ =	swait.ge @!p0 [sflag:s0], s1  }
0x167: {  	s1 =	ssub.s32 @!p0 $0x0, s1;
	[sflag:s0] =	ssyncset.done @!p0 $0x0  }
0x168: {  	[sflag:s0] =	ssyncadd.s32 @!p0 s1  }
0x169: {  	[bflag:$0x3] =	sbarrier.arrive $0xFFFF  }
0x16a: {  	_ =	shalt  }

// kernel: sparse-core-data-format-call.cloned.1.call-start
scs
called_computation_lowered:
.L_overlay_start_0:
0x0: {  	s2 =	sld [smem:$0x3FD9]  }
0x1: {  	s3 =	sld [smem:$0x3FFE];
	_ =	sdelay $0x1  }
0x2: {  	s1 =	srdreg.scid  }
0x3: {  	s0 =	sand.u32 $0x1, s1  }
0x4: {  	s18 =	sshll.u32 s0, $0xA;
	s2 =	sadd.s32 s3, s2  }
0x5: {  	s2 =	sadd.s32 s2, s18  }
0x6: {  	[smem:$0x3FC6] =	sst s2  }
0x7: {  	_ = 	snop  }
0x8: {  	s2 =	sld [smem:$0x3FD0];
	(tm) =	ssettm $0x1  }
0x9: {  	s19 =	sld [smem:$0x3FFB];
	_ =	sdelay $0x3  }
0xa: {  	_ =	strace s19  }
0xb: {  	s3 =	sld [smem:$0x3FFC];
	_ =	sdelay $0x3  }
0xc: {  	_ =	strace s3  }
0xd: {  	s3 =	sld [smem:$0x3FFD];
	_ =	sdelay $0x3  }
0xe: {  	_ =	strace s3  }
0xf: {  	_ =	strace $0x8FFFFFFF  }
0x10: {  	s20 =	sld [smem:$0x3FDB];
	_ =	sdelay $0x1  }
0x11: {  	s4 =	simm.s32 $_scs_section_size  }
0x12: {  	s5 =	simm.s32 $_size__tile_overlayer_lowered;
	s6 =	simm.s32 $_tile_overlayer_lowered  }
0x13: {  	s23 =	simm.s32 $0x1BFF;
	s22 =	sshll.u32 s6, $0x1;
	s3 =	sadd.s32 s4, s20  }
0x14: {  	s7 =	simm.s32 $0x0;
	s21 =	sshll.u32 s5, $0x1;
	s5 =	sadd.s32 s22, s3  }
0x15: {  	[timem:s7], [sflag:s23] =	dma.local [hbm:s5], s21  }
0x16: {  	_ =	swait.ge [sflag:s23], s21  }
0x17: {  	s4 =	ssub.s32 $0x0, s21;
	[sflag:s23] =	ssyncset.done $0x0  }
0x18: {  	[sflag:s23] =	ssyncadd.s32 s4;
	_ =	sdelay $0x1  }
0x19: {  	s24 =	simm.s32 $0x1B8B  }
0x1a: {  	_ =	swait.ge [sflag:s24], $0x1  }
0x1b: {  	[sflag:s24] =	ssyncset.done $0x0  }
0x1c: {  	s26 =	simm.s32 $0x1B8E;
	s25 =	sld [smem:$0x3FFE];
	[sflag:s24] =	ssyncadd.s32 $0xFFFFFFFF  }
0x1d: {  	s27 =	simm.s32 $execute0_lowered;
	[smem:$0x3FD2] =	sst s26  }
0x1e: {  	s5 =	sshll.u32 s27, $0x1;
	_ =	strace $0x80000049;
	[dreg:$0x1] =	wrdreg $0xFFFFFFFF  }
0x1f: {  	s28 =	simm.s32 $_size_execute0_lowered;
	s3 =	sadd.s32 s3, s5;
	[dreg:$0x0] =	wrdreg $0x0  }
0x20: {  	s5 =	sshll.u32 s28, $0x1;
	[dreg:$0x2] =	wrdreg s3  }
0x21: {  	[dreg:$0x3] =	wrdreg s5  }
0x22: {  	[dreg:$0x4] =	wrdreg $0xC0  }
0x23: {  	_ =	task [dreg:s7], $0x5FFFF  }
0x24: {  	[dreg:$0x1] =	wrdreg $0xFFFFFFFF  }
0x25: {  	[dreg:$0x0] =	wrdreg $0x60  }
0x26: {  	[dreg:$0x2] =	wrdreg s25  }
0x27: {  	[dreg:$0x3] =	wrdreg s2  }
0x28: {  	[dreg:$0x4] =	wrdreg $0x9  }
0x29: {  	_ =	task.clear_ibuf [dreg:s7], $0x5FFFF;
	_ =	strace $0x90000049  }
0x2a: {  	s29 =	simm.s32 $0x9;
	_ =	strace $0x8000004B  }
0x2b: {  	_ =	swait.ge [sflag:s29], $0x1  }
0x2c: {  	[sflag:s29] =	ssyncadd.s32 $0xFFFFFFFF  }
0x2d: {  	_ =	strace $0x9000004B  }
0x2e: {  	_ =	sfence  }
0x2f: {  	s30 =	sld [smem:$0x0];
	_ =	sdelay $0x2  }
0x30: {  	s31 =	sshll.u32 s1, $0xD;
	s1 =	sshrl.u32 s1, $0x2  }
0x31: {  	s3 =	sand.u32 $0x4000, s31;
	s1 =	sadd.s32 s1, s30  }
0x32: {  	s0 =	sor.u32 s3, s0;
	s1 =	sshll.u32 s1, $0x11  }
0x33: {  	s0 =	sor.u32 s1, s0  }
0x34: {  	s0 =	sadd.s32 $0x8F2B, s0  }
0x35: {  	[sflag:s0] =	ssyncadd.remote.s32 $0x1  }
0x36: {  	_ =	sfence.sel $0xFFFF  }
0x37: {  	[dreg:$0x0] =	wrdreg $0xFFFFFFFF;
	(pc) =	sbr.abs _section_cstart, $3  }
0x38: {  	[dreg:$0x1] =	wrdreg $0xFFFFFFFF  }
0x39: {  	_ =	task.clear_ibuf [dreg:s7], $0x2FFFF;
	_ =	strace $0x9FFFFFFF  }
0x3a: {  	(tm) =	ssettm $0x7FFFFFFF  }
0x3b: {  	_ =	shalt  }
tec
execute0_lowered:
.L_overlay_start_1:
0x0: {  	(tag) =	ssettag $0x1  }
0x1: {  	s0 =	srdreg.scid;
	s6 =	rddreg [dreg:$0x0]  }
0x2: {  	s3 =	rddreg [dreg:$0x1];
	s1 =	sshll.u32 s0, $0x4  }
0x3: {  	s5 =	simm.s32 $0x1;
	s0 =	stileid.u32;
	s1 =	sand.u32 $0x10, s1  }
0x4: {  	s31 =	simm.s32 $0x2;
	s16 =	simm.s32 $0x0;
	s1 =	sor.u32 s0, s1  }
0x5: {  	s8 =	simm.s32 $0x8000;
	s18 =	simm.s32 $0x0;
	s2 =	sshll.u32 s1, $0x7  }
0x6: {  	s17 =	simm.s32 $0x0;
	s9 =	simm.s32 $0x0;
	s4 =	ssub.s32 $0x1000, s2  }
0x7: {  	s10 =	simm.s32 $0x0;
	s11 =	simm.s32 $0x0;
	s30 =	sand.u32 $0xF80, s4  }
0x8: {  	s12 =	simm.s32 $0x0;
	s13 =	simm.s32 $0x0;
	p0 =	sne.s32 s30, $0x0  }
.Ltmp0:
0x9: {  	s7 =	sshrl.u32 s4, $0xC;
	s5 =	simm.s32 @!p0 $0x0;
	(pc) =	sbr.rel .LBB1_1-.Ltmp0, $4  }
0xa: {  	s15 =	simm.s32 $0x0;
	s1 =	rddreg [dreg:$0x2];
	s5 =	sadd.s32 s5, s7  }
0xb: {  	_ =	strace $0x8000004A;
	s4 =	simm.s32 $0x1;
	s5 =	smul.u32 $0x96, s5  }
0xc: {  	s6 =	sadd.s32 $0xC00, s6;
	s14 =	smov.u32 s2;
	[sflag:s4] =	ssyncpa.u1 $0x0  }
0xd: {  	[sflag:s31] =	ssyncpa.u1 $0x0;
	p0 =	por $0x0, $0x0;
	s7 =	sor.u32 $0x1, s5  }
.LBB1_4:
0xe: {  	s23 =	sshra.s32 s23, $0x2;
	s30 =	sshll.u32 s9, $0xC  }
0xf: {  	p1 =	sgt.s32 s10, $0x31;
	s24 =	smov.u32 s10;
	s25 =	sshra.s32 s10, $0x1F  }
0x10: {  	s26 =	sshll.u32 s11, $0x3;
	s28 =	smov.u32 s11;
	s29 =	sshra.s32 s11, $0x1F  }
0x11: {  	s22 =	sadd.s32 s23, s22;
	s24 =	simm.s32 @!p1 $0x31;
	s25 =	sand.u32 s25, s10  }
0x12: {  	s23 =	sand.u32 $0xFFFF8000, s30;
	s27 =	sand.u32 $0xFFFFFC00, s26;
	p1 =	sgt.s32 s9, $0xB0  }
0x13: {  	s31 =	sand.u32 s29, s11;
	s29 =	sshll.u32 s9, $0x7;
	s30 =	sshra.s32 s9, $0x1F  }
0x14: {  	[tilespmem:s21+$0x2040 ss:$0x81] =	vst.msk $0xffff, v4;
	s24 =	ssub.s32 s24, s25;
	s23 =	sadd.s32 s27, s23;
	s27 =	smov.u32 s9  }
0x15: {  	[tilespmem:s21+$0x2850 ss:$0x81] =	vst.msk $0xffff, v3;
	s29 =	sand.u32 $0x380, s29;
	s25 =	sadd.s32 $0xFFFFFFCF, s24;
	s27 =	simm.s32 @!p1 $0xB0  }
0x16: {  	v5 =	vld [tilespmem:s20+$0xFFFFFFD0];
	[tilespmem:s21+$0x3060 ss:$0x81] =	vst.msk $0xffff, v2;
	p1 =	sgt.s32 s11, $0xF80;
	s23 =	sshrl.u32 s23, $0xC;
	s24 =	ssub.s32 $0x32, s24  }
0x17: {  	v58 =	vld [tilespmem:s20+$0xFFFFFFE0];
	[tilespmem:s21+$0x0 ss:$0x81] =	vst.msk $0xffff, v1;
	s28 =	simm.s32 @!p1 $0xF80;
	p1 =	sgt.s32 s25, $0x0;
	s21 =	smulhi.u32 $0xD79436, s23  }
0x18: {  	v59 =	vld [tilespmem:s20+$0xFFFFFFF0];
	s25 =	ssub.s32 s28, s31;
	s28 =	sand.u32 s30, s9;
	s24 =	simm.s32 @p1 $0x0  }
0x19: {  	v60 =	vld [tilespmem:s20+$0x0];
	s27 =	ssub.s32 s27, s28;
	s31 =	sadd.s32 $0xFFFFF080, s25;
	s25 =	ssub.s32 $0x1000, s25  }
0x1a: {  	v61 =	vld [tilespmem:s20+$0x10];
	[tilespmem:s22+$0x3870 ss:$0x81] =	vst.msk $0xffff, v0;
	s21 =	smul.u32 $0x130, s21;
	s28 =	sand.u32 $0x7, s11;
	p1 =	sgt.s32 s31, $0x7F  }
0x1b: {  	v62 =	vld [tilespmem:s20+$0x20];
	[tilespmem:s22+$0x810 ss:$0x81] =	vst.msk $0xffff, v5;
	s30 =	sadd.s32 $0xFFFFFF50, s27;
	s31 =	sand.u32 $0x78, s11;
	s25 =	simm.s32 @p1 $0x0  }
0x1c: {  	v63 =	vld [tilespmem:s20+$0xFFFFFFC0];
	[tilespmem:s22+$0x1020 ss:$0x81] =	vst.msk $0xffff, v58;
	p1 =	sgt.s32 s30, $0x7F;
	s30 =	sand.u32 $0xC00, s26;
	s24 =	smul.u32 s25, s24  }
0x1d: {  	[tilespmem:s22+$0x1830 ss:$0x81] =	vst.msk $0xffff, v59;
	s26 =	ssub.s32 $0x130, s27;
	s20 =	sor.u32 s31, s30;
	s31 =	smul.u32 $0x26000, s10  }
0x1e: {  	[tilespmem:s22+$0x2040 ss:$0x81] =	vst.msk $0xffff, v60;
	s21 =	ssub.s32 s23, s21;
	s26 =	simm.s32 @p1 $0x0;
	s20 =	sor.u32 s29, s20  }
0x1f: {  	[tilespmem:s22+$0x2850 ss:$0x81] =	vst.msk $0xffff, v61;
	s26 =	smul.u32 s26, s24;
	s20 =	sshrl.u32 s20, $0x3;
	s27 =	sadd.s32 s3, s31  }
0x20: {  	[tilespmem:s22+$0x3060 ss:$0x81] =	vst.msk $0xffff, v62;
	s21 =	sshll.u32 s21, $0x9;
	s29 =	sshll.u32 s28, $0x12;
	s20 =	sadd.s32 s20, s27  }
0x21: {  	[tilespmem:s22+$0x0 ss:$0x81] =	vst.msk $0xffff, v63;
	s31 =	sor.u32 $0x400, s29;
	s30 =	sand.u32 $0x3FFFFFFF, s26;
	s20 =	sadd.s32 s21, s20  }
0x22: {  	[hbm4b:s20+s31] =	stream.strided.scatter [tilespmem:s19], [sflag:$0x2], s30, s8, s31, $0x20;
	[tilespmem:$0x10100] =	vst v63  }
.LBB1_5:
0x23: {  	p1 =	slt.u32 s15, $0x2  }
0x24: {  	p2 =	sgt.s32 @!p1 s18, $0x31  }
0x25: {  	s19 =	smov.u32 s18;
	s20 =	sshra.s32 @!p1 s18, $0x1F;
	p2 =	por !p2, p1  }
0x26: {  	s18 =	sand.u32 @!p1 s20, s18;
	s19 =	simm.s32 @p2 $0x31  }
0x27: {  	p3 =	sgt.s32 @!p1 s16, $0xB0;
	s18 =	ssub.s32 @!p1 s19, s18  }
0x28: {  	p4 =	sgt.s32 @!p1 s17, $0xF80;
	s21 =	sshra.s32 @!p1 s17, $0x1F;
	s19 =	sadd.s32 @!p1 $0xFFFFFFCF, s18  }
0x29: {  	s20 =	smov.u32 s16;
	p2 =	sgt.s32 @!p1 s19, $0x0;
	s19 =	sshra.s32 @!p1 s16, $0x1F  }
0x2a: {  	p4 =	por !p4, p1;
	s16 =	sand.u32 @!p1 s19, s16;
	s19 =	smov.u32 s17  }
0x2b: {  	p3 =	por !p3, p1;
	s17 =	sand.u32 @!p1 s21, s17;
	s19 =	simm.s32 @p4 $0xF80  }
0x2c: {  	s20 =	simm.s32 @p3 $0xB0;
	s18 =	ssub.s32 @!p1 $0x32, s18;
	s17 =	ssub.s32 @!p1 s19, s17  }
0x2d: {  	p2 =	por !p2, p1;
	s16 =	ssub.s32 @!p1 s20, s16;
	s20 =	sadd.s32 @!p1 $0xFFFFF080, s17  }
0x2e: {  	s18 =	simm.s32 @!p2 $0x0;
	p3 =	sgt.s32 @!p1 s20, $0x7F  }
0x2f: {  	s19 =	sadd.s32 @!p1 $0xFFFFFF50, s16;
	s17 =	ssub.s32 @!p1 $0x1000, s17;
	p3 =	por !p3, p1  }
0x30: {  	p2 =	sgt.s32 @!p1 s19, $0x7F;
	s19 =	sadd.s32 $0x80, s12;
	s17 =	simm.s32 @!p3 $0x0  }
0x31: {  	p3 =	sgt.s32 s19, $0x12B;
	s17 =	smul.u32 @!p1 s17, s18;
	s18 =	simm.s32 $0x1  }
0x32: {  	s16 =	ssub.s32 @!p1 $0x130, s16;
	p2 =	por !p2, p1;
	s18 =	simm.s32 @!p3 $0x0  }
0x33: {  	s21 =	smov.u32 s14;
	s16 =	simm.s32 @!p2 $0x0;
	s20 =	sadd.s32 s18, s13  }
0x34: {  	s16 =	smul.u32 @!p1 s16, s17;
	s17 =	sadd.s32 $0x1000, s14;
	p2 =	sgt.s32 s20, $0x31  }
0x35: {  	p0 =	por !p0, !p0;
	s22 =	simm.s32 @!p1 $0x2;
	s21 =	smov.u32 @p2 s17  }
0x36: {  	s19 =	simm.s32 @p3 $0x0;
	s20 =	simm.s32 @p2 $0x0;
	p2 =	sgt.s32 s21, $0xFFF  }
0x37: {  	s18 =	smov.u32 s10;
	s21 =	smov.u32 @p2 s2;
	p2 =	sne.s32 s15, s7  }
.Ltmp1:
0x38: {  	s10 =	smov.u32 s13;
	s16 =	sand.u32 @!p1 $0x3FFFFFFF, s16;
	(pc) =	sbr.rel @!p2 .LBB1_6-.Ltmp1, $4  }
0x39: {  	s17 =	smov.u32 s11;
	s11 =	smov.u32 s14;
	_ =	swait.ge @!p1 [sflag:s22], s16  }
0x3a: {  	s23 =	ssub.s32 @!p1 $0x0, s16;
	s16 =	smov.u32 s9;
	s9 =	smov.u32 s12  }
0x3b: {  	s12 =	smov.u32 s19;
	s13 =	smov.u32 s20;
	[sflag:s22] =	ssyncset.done @!p1 $0x0  }
0x3c: {  	s15 =	sadd.s32 $0x1, s15;
	[sflag:s22] =	ssyncadd.s32 @!p1 s23;
	s14 =	smov.u32 s21  }
.LBB1_1:
0x3d: {  	p1 =	sge.u32 s15, s5  }
0x3e: {  	s19 =	sshrl.u32 @!p1 s13, $0x3  }
0x3f: {  	s20 =	sshll.u32 @!p1 s12, $0x3;
	s19 =	smul.u32 @!p1 $0xC00, s19  }
0x40: {  	s21 =	sshll.u32 @!p1 s13, $0x7;
	s20 =	sand.u32 @!p1 $0xFFFFFC00, s20  }
0x41: {  	s19 =	sadd.s32 @!p1 s19, s20;
	s20 =	sand.u32 @!p1 $0x380, s21  }
0x42: {  	s19 =	sor.u32 @!p1 s20, s19  }
0x43: {  	s20 =	sand.u32 @!p1 $0x7F, s12;
	s21 =	smulhi.u32 @!p1 $0xAAAAAAAB, s19  }
0x44: {  	s19 =	sor.u32 @!p1 s20, s19  }
0x45: {  	s20 =	smulhi.u32 @!p1 $0xAAAAAAAB, s19;
	s21 =	sshrl.u32 @!p1 s21, $0x8  }
0x46: {  	s22 =	smulhi.u32 @!p1 $0x4924925, s21;
	_ =	sdelay $0x1  }
0x47: {  	s20 =	sshrl.u32 @!p1 s20, $0x8;
	s22 =	smul.u32 @!p1 $0x38, s22  }
0x48: {  	s31 =	sadd.s32 $0xFFFFFFFF, s15;
	s20 =	smul.u32 @!p1 $0x180, s20  }
0x49: {  	s23 =	sxor.u32 @!p1 $0xFFFFFFFF, s15;
	s21 =	ssub.s32 @!p1 s21, s22;
	s22 =	smul.u32 @!p1 $0xA80, s14  }
0x4a: {  	s23 =	sshll.u32 @!p1 s23, $0xE;
	s19 =	ssub.s32 @!p1 s19, s20;
	s20 =	smul.u32 @!p1 $0x30, s21  }
0x4b: {  	s21 =	sand.u32 @!p1 $0x4000, s23;
	s23 =	sand.u32 @!p1 $0x7, s19;
	s22 =	sadd.s32 @!p1 s6, s22  }
0x4c: {  	s19 =	sshrl.u32 @!p1 s19, $0x3;
	s20 =	sadd.s32 @!p1 s20, s22;
	s22 =	sshll.u32 @!p1 s23, $0x12  }
0x4d: {  	s19 =	sadd.s32 @!p1 s19, s20;
	s20 =	sor.u32 @!p1 $0x80, s22;
	s22 =	simm.s32 @!p1 $0x5400  }
0x4e: {  	[tilespmem:s21], [sflag:$0x1] =	stream.strided.gather @!p1 [hbm4b:s19+s20], $0x4000, s22, s20, $0x38;
	[tilespmem:$0x10100] =	vst v63  }
0x4f: {  	p1 =	sge.u32 s31, s5  }
.Ltmp2:
0x50: {  	_ = 	snop;
	(pc) =	sbr.rel @p1 .LBB1_5-.Ltmp2, $1  }
0x51: {  	_ =	sdelay $0x3  }
0x52: {  	s19 =	simm.s32 $0x1  }
0x53: {  	_ =	swait.ge [sflag:s4], $0x4000;
	s19 =	simm.s32 @!p0 $0x0  }
0x54: {  	[sflag:s4] =	ssyncset.done $0x0;
	s20 =	sshll.u32 s19, $0xE  }
0x55: {  	[sflag:s4] =	ssyncadd.s32 $0xFFFFC000;
	s20 =	sor.u32 $0x40, s20  }
0x56: {  	s19 =	smul.u32 $0x10200, s19;
	v0 =	vld [tilespmem:s20+$0x30]  }
0x57: {  	v1 =	vld [tilespmem:s20+$0xFFFFFFD0]  }
0x58: {  	s19 =	sshrl.u32 s19, $0x2;
	v5 =	vld [tilespmem:s20+$0xFFFFFFE0]  }
0x59: {  	v6 =	vld [tilespmem:s20+$0xFFFFFFF0];
	s22 =	sor.u32 $0x8000, s19  }
0x5a: {  	s31 =	sand.u32 $0x1, s15;
	v4 =	vld [tilespmem:s20+$0x0];
	s21 =	sadd.s32 $0x0, s22  }
0x5b: {  	v3 =	vld [tilespmem:s20+$0x10];
	s19 =	smul.u32 $0x10200, s31;
	[tilespmem:s21+$0x3870 ss:$0x81] =	vst.msk $0xffff, v0  }
0x5c: {  	v2 =	vld [tilespmem:s20+$0x20];
	[tilespmem:s21+$0x810 ss:$0x81] =	vst.msk $0xffff, v1  }
0x5d: {  	s19 =	sshrl.u32 s19, $0x2;
	v1 =	vld [tilespmem:s20+$0xFFFFFFC0];
	[tilespmem:s21+$0x1020 ss:$0x81] =	vst.msk $0xffff, v5;
	s20 =	sadd.s32 $0x80, s20  }
0x5e: {  	s23 =	simm.s32 $0x4;
	s24 =	simm.s32 $0x8;
	s19 =	sor.u32 $0x8000, s19;
	[tilespmem:s21+$0x1830 ss:$0x81] =	vst.msk $0xffff, v6;
	v0 =	vld [tilespmem:s20+$0x30]  }
.LBB1_3:
0x5f: {  	p1 =	sne.s32 s24, $0x1FC;
	v5 =	vld [tilespmem:s20+$0xFFFFFFD0];
	[tilespmem:s21+$0x2040 ss:$0x81] =	vst.msk $0xffff, v4  }
0x60: {  	v6 =	vld [tilespmem:s20+$0xFFFFFFE0];
	[tilespmem:s21+$0x2850 ss:$0x81] =	vst.msk $0xffff, v3  }
0x61: {  	s25 =	sshra.s32 s23, $0x2;
	s23 =	smov.u32 s24;
	v7 =	vld [tilespmem:s20+$0xFFFFFFF0];
	[tilespmem:s21+$0x3060 ss:$0x81] =	vst.msk $0xffff, v2  }
.Ltmp3:
0x62: {  	v4 =	vld [tilespmem:s20+$0x0];
	[tilespmem:s21+$0x0 ss:$0x81] =	vst.msk $0xffff, v1;
	s21 =	sadd.s32 s25, s22;
	(pc) =	sbr.rel @p1 .LBB1_3-.Ltmp3, $4  }
0x63: {  	v3 =	vld [tilespmem:s20+$0x10];
	[tilespmem:s21+$0x3870 ss:$0x81] =	vst.msk $0xffff, v0  }
0x64: {  	[tilespmem:s21+$0x810 ss:$0x81] =	vst.msk $0xffff, v5;
	v2 =	vld [tilespmem:s20+$0x20]  }
0x65: {  	v1 =	vld [tilespmem:s20+$0xFFFFFFC0];
	[tilespmem:s21+$0x1020 ss:$0x81] =	vst.msk $0xffff, v6;
	s20 =	sadd.s32 $0x80, s20  }
0x66: {  	s24 =	sadd.s32 $0x4, s24;
	v0 =	vld [tilespmem:s20+$0x30];
	[tilespmem:s21+$0x1830 ss:$0x81] =	vst.msk $0xffff, v7  }
.Ltmp4:
0x67: {  	_ = 	snop;
	(pc) =	sbr.rel .LBB1_4-.Ltmp4, $1  }
0x68: {  	_ =	sdelay $0x3  }
.LBB1_6:
0x69: {  	_ =	sfence.sel $0x180000  }
0x6a: {  	s2 =	simm.s32 $0x1;
	[bflag:$0x0] =	sbarrier.arrive $0xFFFF  }
0x6b: {  	s31 =	simm.s32 $0x2;
	[sflag:s2] =	ssyncpa.u1 $0x1  }
0x6c: {  	[sflag:s31] =	ssyncpa.u1 $0x1  }
0x6d: {  	p0 =	sne.s32 s0, $0x0;
	_ =	strace $0x9000004A  }
0x6e: {  	s0 =	sadd.s32 @!p0 $0x100000, s1;
	[bflag:$0x2] =	sbarrier.arrive $0xFFFF  }
0x6f: {  	[sflag:s0] =	ssyncadd.tile.s32 @!p0 $0x1;
	_ =	shalt  }
.Lfunc_end1:
_tile_overlayer_lowered:
.L_overlay_start_2:
0x70: {  	(tag) =	ssettag $0x2  }
0x71: {  	s0 =	rddreg [dreg:$0x0];
	s2 =	stileid.u32  }
0x72: {  	s1 =	rddreg [dreg:$0x1];
	p0 =	sne.s32 s2, $0x0  }
0x73: {  	s3 =	rddreg [dreg:$0x2];
	[bflag:$0x3] =	sbarrier.arrive $0xFFFF;
	s2 =	simm.s32 @!p0 $0x1C01  }
0x74: {  	[timem:s3], [sflag:s2] =	dma.local @!p0 [hbm:s0], s1  }
0x75: {  	s0 =	simm.s32 @!p0 $0x1  }
0x76: {  	_ =	swait.ge @!p0 [sflag:s0], s1  }
0x77: {  	s1 =	ssub.s32 @!p0 $0x0, s1;
	[sflag:s0] =	ssyncset.done @!p0 $0x0  }
0x78: {  	[sflag:s0] =	ssyncadd.s32 @!p0 s1  }
0x79: {  	[bflag:$0x3] =	sbarrier.arrive $0xFFFF  }
0x7a: {  	_ =	shalt  }

</sc_bundles>
